<compile_context>
chip_gen: v7x
topology: tpu7x:2x2x1
jax: 0.10.2.dev20260603
libtpu: 0.0.44.dev20260713+nightly
codegen_flags: <defaults>
</compile_context>

<pallas_src>
import functools

import jax
import jax.numpy as jnp
from jax import lax
from jax.experimental import pallas as pl
from jax.experimental.pallas import tpu as pltpu
from jax.experimental.pallas import tpu_sc as plsc

N = 16384
D = 32
K = 512

NC = 2
NS = 16
L = 16
NW = NC * NS

P = 1
CHUNK = N // P
BLOCK_N = 2048
CH = 128
KH = 256


def _dist_block(x_ref, c_ref, o_ref):
    x = x_ref[...]
    c = c_ref[...]
    s = lax.dot_general(c, x, (((0,), (1,)), ((), ())),
                        preferred_element_type=jnp.float32,
                        precision=lax.Precision.HIGHEST)
    cn = jnp.sum(c * c, axis=0)[:, None]
    o_ref[...] = cn - 2.0 * s


def _sc_argmin(dT_hbm, out_hbm, bufs, outv, sems):
    rows_per_w = CHUNK // NW
    n_piece = (rows_per_w // CH) * (K // KH)
    wid = lax.axis_index("s") * NC + lax.axis_index("c")
    base = wid * rows_per_w

    def start(i):
        chunk, half = divmod(i, K // KH)
        src = dT_hbm.at[pl.ds(half * KH, KH),
                        pl.ds(base + chunk * CH, CH)]
        return pltpu.async_copy(src, bufs.at[i % 2], sems.at[i % 2])

    copies = {0: start(0)}
    carry = None
    for i in range(n_piece):
        chunk, half = divmod(i, K // KH)
        if i + 1 < n_piece:
            copies[i + 1] = start(i + 1)
        copies.pop(i).wait()
        buf = bufs.at[i % 2]
        if half == 0:
            carry = []
            for g in range(CH // L):
                carry.append(jnp.full((L,), jnp.inf, jnp.float32))
                carry.append(jnp.zeros((L,), jnp.float32))
            carry = tuple(carry)

        def body(k, c, _half=half, _buf=buf):
            kf = lax.convert_element_type(k + _half * KH, jnp.float32)
            new = []
            for g in range(CH // L):
                mv, mi = c[2 * g], c[2 * g + 1]
                v = _buf[k, pl.ds(g * L, L)]
                p = v < mv
                new.append(jnp.where(p, v, mv))
                new.append(jnp.where(p, kf, mi))
            return tuple(new)

        carry = lax.fori_loop(0, KH, body, carry)
        if half == K // KH - 1:
            for g in range(CH // L):
                outv[pl.ds(chunk * CH + g * L, L)] = carry[2 * g + 1]
    pltpu.sync_copy(outv, out_hbm.at[pl.ds(base, rows_per_w)])


_SC_MESH = plsc.VectorSubcoreMesh(core_axis_name="c", subcore_axis_name="s",
                                  num_cores=NC, num_subcores=NS)

_sc_argmin_call = functools.partial(
    pl.kernel,
    _sc_argmin,
    out_type=jax.ShapeDtypeStruct((CHUNK,), jnp.float32),
    mesh=_SC_MESH,
    scratch_types=[
        pltpu.VMEM((2, KH, CH), jnp.float32),
        pltpu.VMEM((CHUNK // NW,), jnp.float32),
        pltpu.SemaphoreType.DMA((2,)),
    ],
)()


@jax.jit
def kernel(features, centroids):
    dist_call = pl.pallas_call(
        _dist_block,
        grid=(CHUNK // BLOCK_N,),
        in_specs=[
            pl.BlockSpec((BLOCK_N, D), lambda i: (i, 0)),
            pl.BlockSpec((D, K), lambda i: (0, 0)),
        ],
        out_specs=pl.BlockSpec((K, BLOCK_N), lambda i: (0, i)),
        out_shape=jax.ShapeDtypeStruct((K, CHUNK), jnp.float32),
    )
    outs = []
    for p in range(P):
        xp = lax.slice(features, (p * CHUNK, 0), ((p + 1) * CHUNK, D))
        dTp = dist_call(xp, centroids)
        outs.append(_sc_argmin_call(dTp))
    return jnp.concatenate(outs)[:, None]

# --- scband reference (transcript-rebuilt; emitter-appended) ---
"""Pipeline reference for scband-kmeans-clustering-layer-65798898975201 (READ-ONLY COPY).

The authoritative reference and input builder live on the scoring server;
editing this copy changes nothing except your own understanding.
"""

import jax, jax.numpy as jnp
import numpy as np


def setup_inputs(seed: int = 0) -> dict:
    key = jax.random.key(seed)
    k1, k2 = jax.random.split(key)
    features = jax.random.normal(k1, (16384, 32), dtype=jnp.float32)
    # learned (non-trainable) centroid table, shape (input_dim, n_clusters)
    centroids = jax.random.normal(k2, (32, 512), dtype=jnp.float32)
    return {"features": features, "centroids": centroids}


def reference(features, centroids):
    # distances[n, k] = sum_d (features[n, d] - centroids[d, k])^2
    # faithful to tf: expand_dims + broadcast subtract + square + reduce_sum over dim 1
    distances = jnp.sum(jnp.square(features[:, :, None] - centroids[None, :, :]), axis=1)
    assignments = jnp.argmin(distances, axis=-1)
    assignments = assignments[:, None].astype(jnp.float32)
    return assignments

if __name__ == "__main__":
    import jax
    _d = setup_inputs()
    print(jax.jit(kernel)(*tuple(_d.values())))

</pallas_src>

<mosaic_0001>
#map = affine_map<(d0, d1) -> (0, 0)>
#map1 = affine_map<(d0, d1) -> (0)>
module attributes {stable_mosaic.version = 14 : i64} {
  func.func @_sc_argmin(%arg0: i32, %arg1: i32, %arg2: memref<512x16384xf32, #tpu.memory_space<hbm>>, %arg3: memref<16384xf32, #tpu.memory_space<hbm>>, %arg4: memref<2x256x128xf32, #tpu.memory_space<vmem>>, %arg5: memref<512xf32, #tpu.memory_space<vmem>>, %arg6: memref<2x!tpu.dma_semaphore, #tpu.memory_space<semaphore_mem>>) attributes {dimension_semantics = [#tpu.dimension_semantics<core_parallel>, #tpu.dimension_semantics<subcore_parallel>], iteration_bounds = array<i64: 2, 16>, scalar_prefetch = 0 : i64, scratch_operands = 3 : i64, tpu.core_type = #tpu.core_type<sc_vector_subcore>, window_params = [{transform_indices = #map}, {transform_indices = #map1}]} {
    %mul3A = arith.constant 2 : i32
    %mul3A_0 = arith.muli %arg1, %mul3A : i32
    %add3A = arith.addi %mul3A_0, %arg0 : i32
    %mul3A_1 = arith.constant 512 : i32
    %mul3A_2 = arith.muli %add3A, %mul3A_1 : i32
    %add3A_3 = arith.constant 0 : i32
    %add3A_4 = arith.addi %mul3A_2, %add3A_3 : i32
    %dma_start3A = arith.constant 0 : i32
    %dma_start3A_5 = arith.constant 0 : i32
    %dma_start3A_6 = arith.constant 0 : i32
    %dma_start3A_7 = arith.constant 0 : i32
    %dma_start3A_8 = tpu.memref_slice %arg4[%dma_start3A, %dma_start3A_6, %dma_start3A_7] : memref<2x256x128xf32, #tpu.memory_space<vmem>> -> memref<1x256x128xf32, #tpu.memory_space<vmem>>
    %dma_start3A_9 = tpu.memref_squeeze %dma_start3A_8 : memref<1x256x128xf32, #tpu.memory_space<vmem>> -> memref<256x128xf32, #tpu.memory_space<vmem>>
    %dma_start3A_10 = arith.constant 0 : i32
    %dma_start3A_11 = tpu.memref_slice %arg2[%dma_start3A_10, %add3A_4] : memref<512x16384xf32, #tpu.memory_space<hbm>> -> memref<256x128xf32, #tpu.memory_space<hbm>>
    %dma_start3A_12 = tpu.memref_slice %arg6[%dma_start3A_5] : memref<2x!tpu.dma_semaphore, #tpu.memory_space<semaphore_mem>> -> memref<1x!tpu.dma_semaphore, #tpu.memory_space<semaphore_mem>>
    %dma_start3A_13 = tpu.memref_squeeze %dma_start3A_12 : memref<1x!tpu.dma_semaphore, #tpu.memory_space<semaphore_mem>> -> memref<!tpu.dma_semaphore, #tpu.memory_space<semaphore_mem>>
    %dma_start3A_14 = arith.constant 0 : i32
    %dma_start3A_15 = arith.constant 0 : i32
    %dma_start3A_16 = tpu.memref_slice %arg4[%dma_start3A, %dma_start3A_14, %dma_start3A_15] : memref<2x256x128xf32, #tpu.memory_space<vmem>> -> memref<1x256x128xf32, #tpu.memory_space<vmem>>
    %dma_start3A_17 = tpu.memref_squeeze %dma_start3A_16 : memref<1x256x128xf32, #tpu.memory_space<vmem>> -> memref<256x128xf32, #tpu.memory_space<vmem>>
    %dma_start3A_18 = arith.constant 0 : i32
    %dma_start3A_19 = tpu.memref_slice %arg2[%dma_start3A_18, %add3A_4] : memref<512x16384xf32, #tpu.memory_space<hbm>> -> memref<256x128xf32, #tpu.memory_space<hbm>>
    tpu.enqueue_dma source(%dma_start3A_19 : memref<256x128xf32, #tpu.memory_space<hbm>>) target(%dma_start3A_17 : memref<256x128xf32, #tpu.memory_space<vmem>>) target_semaphore(%dma_start3A_13 : memref<!tpu.dma_semaphore, #tpu.memory_space<semaphore_mem>>)
    %add3A_20 = arith.constant 0 : i32
    %add3A_21 = arith.addi %mul3A_2, %add3A_20 : i32
    %dma_start3A_22 = arith.constant 1 : i32
    %dma_start3A_23 = arith.constant 1 : i32
    %dma_start3A_24 = arith.constant 0 : i32
    %dma_start3A_25 = arith.constant 0 : i32
    %dma_start3A_26 = tpu.memref_slice %arg4[%dma_start3A_22, %dma_start3A_24, %dma_start3A_25] : memref<2x256x128xf32, #tpu.memory_space<vmem>> -> memref<1x256x128xf32, #tpu.memory_space<vmem>>
    %dma_start3A_27 = tpu.memref_squeeze %dma_start3A_26 : memref<1x256x128xf32, #tpu.memory_space<vmem>> -> memref<256x128xf32, #tpu.memory_space<vmem>>
    %dma_start3A_28 = arith.constant 256 : i32
    %dma_start3A_29 = tpu.memref_slice %arg2[%dma_start3A_28, %add3A_21] : memref<512x16384xf32, #tpu.memory_space<hbm>> -> memref<256x128xf32, #tpu.memory_space<hbm>>
    %dma_start3A_30 = tpu.memref_slice %arg6[%dma_start3A_23] : memref<2x!tpu.dma_semaphore, #tpu.memory_space<semaphore_mem>> -> memref<1x!tpu.dma_semaphore, #tpu.memory_space<semaphore_mem>>
    %dma_start3A_31 = tpu.memref_squeeze %dma_start3A_30 : memref<1x!tpu.dma_semaphore, #tpu.memory_space<semaphore_mem>> -> memref<!tpu.dma_semaphore, #tpu.memory_space<semaphore_mem>>
    %dma_start3A_32 = arith.constant 0 : i32
    %dma_start3A_33 = arith.constant 0 : i32
    %dma_start3A_34 = tpu.memref_slice %arg4[%dma_start3A_22, %dma_start3A_32, %dma_start3A_33] : memref<2x256x128xf32, #tpu.memory_space<vmem>> -> memref<1x256x128xf32, #tpu.memory_space<vmem>>
    %dma_start3A_35 = tpu.memref_squeeze %dma_start3A_34 : memref<1x256x128xf32, #tpu.memory_space<vmem>> -> memref<256x128xf32, #tpu.memory_space<vmem>>
    %dma_start3A_36 = arith.constant 256 : i32
    %dma_start3A_37 = tpu.memref_slice %arg2[%dma_start3A_36, %add3A_21] : memref<512x16384xf32, #tpu.memory_space<hbm>> -> memref<256x128xf32, #tpu.memory_space<hbm>>
    tpu.enqueue_dma source(%dma_start3A_37 : memref<256x128xf32, #tpu.memory_space<hbm>>) target(%dma_start3A_35 : memref<256x128xf32, #tpu.memory_space<vmem>>) target_semaphore(%dma_start3A_31 : memref<!tpu.dma_semaphore, #tpu.memory_space<semaphore_mem>>)
    %dma_wait3A = arith.constant 0 : i32
    %dma_wait3A_38 = arith.constant 0 : i32
    %dma_wait3A_39 = arith.constant 0 : i32
    %dma_wait3A_40 = arith.constant 0 : i32
    %dma_wait3A_41 = tpu.memref_slice %arg4[%dma_wait3A, %dma_wait3A_39, %dma_wait3A_40] : memref<2x256x128xf32, #tpu.memory_space<vmem>> -> memref<1x256x128xf32, #tpu.memory_space<vmem>>
    %dma_wait3A_42 = tpu.memref_squeeze %dma_wait3A_41 : memref<1x256x128xf32, #tpu.memory_space<vmem>> -> memref<256x128xf32, #tpu.memory_space<vmem>>
    %dma_wait3A_43 = arith.constant 0 : i32
    %dma_wait3A_44 = tpu.memref_slice %arg2[%dma_wait3A_43, %add3A_4] : memref<512x16384xf32, #tpu.memory_space<hbm>> -> memref<256x128xf32, #tpu.memory_space<hbm>>
    %dma_wait3A_45 = tpu.memref_slice %arg6[%dma_wait3A_38] : memref<2x!tpu.dma_semaphore, #tpu.memory_space<semaphore_mem>> -> memref<1x!tpu.dma_semaphore, #tpu.memory_space<semaphore_mem>>
    %dma_wait3A_46 = tpu.memref_squeeze %dma_wait3A_45 : memref<1x!tpu.dma_semaphore, #tpu.memory_space<semaphore_mem>> -> memref<!tpu.dma_semaphore, #tpu.memory_space<semaphore_mem>>
    %dma_wait3A_47 = arith.constant 0 : i32
    %dma_wait3A_48 = arith.constant 0 : i32
    %dma_wait3A_49 = tpu.memref_slice %arg4[%dma_wait3A, %dma_wait3A_47, %dma_wait3A_48] : memref<2x256x128xf32, #tpu.memory_space<vmem>> -> memref<1x256x128xf32, #tpu.memory_space<vmem>>
    %dma_wait3A_50 = tpu.memref_squeeze %dma_wait3A_49 : memref<1x256x128xf32, #tpu.memory_space<vmem>> -> memref<256x128xf32, #tpu.memory_space<vmem>>
    %dma_wait3A_51 = arith.constant 0 : i32
    %dma_wait3A_52 = tpu.memref_slice %arg2[%dma_wait3A_51, %add3A_4] : memref<512x16384xf32, #tpu.memory_space<hbm>> -> memref<256x128xf32, #tpu.memory_space<hbm>>
    tpu.wait_dma2 semaphore(%dma_wait3A_46 : memref<!tpu.dma_semaphore, #tpu.memory_space<semaphore_mem>>) src(%dma_wait3A_52 : memref<256x128xf32, #tpu.memory_space<hbm>>) dst(%dma_wait3A_50 : memref<256x128xf32, #tpu.memory_space<vmem>>)
    %broadcast_in_dim3A = arith.constant 0x7F800000 : f32
    %broadcast_in_dim3A_53 = vector.broadcast %broadcast_in_dim3A : f32 to vector<16xf32>
    %broadcast_in_dim3A_54 = arith.constant 0.000000e+00 : f32
    %broadcast_in_dim3A_55 = vector.broadcast %broadcast_in_dim3A_54 : f32 to vector<16xf32>
    %broadcast_in_dim3A_56 = arith.constant 0x7F800000 : f32
    %broadcast_in_dim3A_57 = vector.broadcast %broadcast_in_dim3A_56 : f32 to vector<16xf32>
    %broadcast_in_dim3A_58 = arith.constant 0.000000e+00 : f32
    %broadcast_in_dim3A_59 = vector.broadcast %broadcast_in_dim3A_58 : f32 to vector<16xf32>
    %broadcast_in_dim3A_60 = arith.constant 0x7F800000 : f32
    %broadcast_in_dim3A_61 = vector.broadcast %broadcast_in_dim3A_60 : f32 to vector<16xf32>
    %broadcast_in_dim3A_62 = arith.constant 0.000000e+00 : f32
    %broadcast_in_dim3A_63 = vector.broadcast %broadcast_in_dim3A_62 : f32 to vector<16xf32>
    %broadcast_in_dim3A_64 = arith.constant 0x7F800000 : f32
    %broadcast_in_dim3A_65 = vector.broadcast %broadcast_in_dim3A_64 : f32 to vector<16xf32>
    %broadcast_in_dim3A_66 = arith.constant 0.000000e+00 : f32
    %broadcast_in_dim3A_67 = vector.broadcast %broadcast_in_dim3A_66 : f32 to vector<16xf32>
    %broadcast_in_dim3A_68 = arith.constant 0x7F800000 : f32
    %broadcast_in_dim3A_69 = vector.broadcast %broadcast_in_dim3A_68 : f32 to vector<16xf32>
    %broadcast_in_dim3A_70 = arith.constant 0.000000e+00 : f32
    %broadcast_in_dim3A_71 = vector.broadcast %broadcast_in_dim3A_70 : f32 to vector<16xf32>
    %broadcast_in_dim3A_72 = arith.constant 0x7F800000 : f32
    %broadcast_in_dim3A_73 = vector.broadcast %broadcast_in_dim3A_72 : f32 to vector<16xf32>
    %broadcast_in_dim3A_74 = arith.constant 0.000000e+00 : f32
    %broadcast_in_dim3A_75 = vector.broadcast %broadcast_in_dim3A_74 : f32 to vector<16xf32>
    %broadcast_in_dim3A_76 = arith.constant 0x7F800000 : f32
    %broadcast_in_dim3A_77 = vector.broadcast %broadcast_in_dim3A_76 : f32 to vector<16xf32>
    %broadcast_in_dim3A_78 = arith.constant 0.000000e+00 : f32
    %broadcast_in_dim3A_79 = vector.broadcast %broadcast_in_dim3A_78 : f32 to vector<16xf32>
    %broadcast_in_dim3A_80 = arith.constant 0x7F800000 : f32
    %broadcast_in_dim3A_81 = vector.broadcast %broadcast_in_dim3A_80 : f32 to vector<16xf32>
    %broadcast_in_dim3A_82 = arith.constant 0.000000e+00 : f32
    %broadcast_in_dim3A_83 = vector.broadcast %broadcast_in_dim3A_82 : f32 to vector<16xf32>
    %scan3A = arith.constant 0 : i32
    %scan3A_84 = arith.constant 0 : i32
    %scan3A_85 = arith.constant 256 : i32
    %scan3A_86 = arith.addi %scan3A_84, %scan3A_85 : i32
    %scan3A_87 = arith.constant 1 : i32
    %scan3A_88:16 = scf.for %scan3A_582 = %scan3A_84 to %scan3A_86 step %scan3A_87 iter_args(%scan3A_583 = %broadcast_in_dim3A_53, %scan3A_584 = %broadcast_in_dim3A_55, %scan3A_585 = %broadcast_in_dim3A_57, %scan3A_586 = %broadcast_in_dim3A_59, %scan3A_587 = %broadcast_in_dim3A_61, %scan3A_588 = %broadcast_in_dim3A_63, %scan3A_589 = %broadcast_in_dim3A_65, %scan3A_590 = %broadcast_in_dim3A_67, %scan3A_591 = %broadcast_in_dim3A_69, %scan3A_592 = %broadcast_in_dim3A_71, %scan3A_593 = %broadcast_in_dim3A_73, %scan3A_594 = %broadcast_in_dim3A_75, %scan3A_595 = %broadcast_in_dim3A_77, %scan3A_596 = %broadcast_in_dim3A_79, %scan3A_597 = %broadcast_in_dim3A_81, %scan3A_598 = %broadcast_in_dim3A_83) -> (vector<16xf32>, vector<16xf32>, vector<16xf32>, vector<16xf32>, vector<16xf32>, vector<16xf32>, vector<16xf32>, vector<16xf32>, vector<16xf32>, vector<16xf32>, vector<16xf32>, vector<16xf32>, vector<16xf32>, vector<16xf32>, vector<16xf32>, vector<16xf32>)  : i32 {
      %add3A_599 = arith.constant 0 : i32
      %add3A_600 = arith.addi %scan3A_582, %add3A_599 : i32
      %convert_element_type3A = arith.sitofp %add3A_600 : i32 to f32
      %get3A = arith.constant 0 : i32
      %get3A_601 = arith.constant 0 : i32
      %get3A_602 = tpu.memref_slice %arg4[%scan3A, %get3A, %get3A_601] : memref<2x256x128xf32, #tpu.memory_space<vmem>> -> memref<1x256x128xf32, #tpu.memory_space<vmem>>
      %get3A_603 = tpu.memref_squeeze %get3A_602 : memref<1x256x128xf32, #tpu.memory_space<vmem>> -> memref<256x128xf32, #tpu.memory_space<vmem>>
      %get3A_604 = arith.index_cast %scan3A_582 : i32 to index
      %get3A_605 = arith.constant 0 : index
      %get3A_606 = tpu.vector_load %get3A_603[%get3A_604, %get3A_605] {strides = array<i32>} : memref<256x128xf32, #tpu.memory_space<vmem>>, vector<1x16xf32>,
      %get3A_607 = vector.shape_cast %get3A_606 : vector<1x16xf32> to vector<16xf32>
      %lt3A = arith.cmpf olt, %get3A_607, %scan3A_583 : vector<16xf32>
      %select_n3A = arith.select %lt3A, %get3A_607, %scan3A_583 : vector<16xi1>, vector<16xf32>
      %broadcast_in_dim3A_608 = vector.broadcast %convert_element_type3A : f32 to vector<16xf32>
      %select_n3A_609 = arith.select %lt3A, %broadcast_in_dim3A_608, %scan3A_584 : vector<16xi1>, vector<16xf32>
      %get3A_610 = arith.constant 0 : i32
      %get3A_611 = arith.constant 0 : i32
      %get3A_612 = tpu.memref_slice %arg4[%scan3A, %get3A_610, %get3A_611] : memref<2x256x128xf32, #tpu.memory_space<vmem>> -> memref<1x256x128xf32, #tpu.memory_space<vmem>>
      %get3A_613 = tpu.memref_squeeze %get3A_612 : memref<1x256x128xf32, #tpu.memory_space<vmem>> -> memref<256x128xf32, #tpu.memory_space<vmem>>
      %get3A_614 = arith.index_cast %scan3A_582 : i32 to index
      %get3A_615 = arith.constant 16 : index
      %get3A_616 = tpu.vector_load %get3A_613[%get3A_614, %get3A_615] {strides = array<i32>} : memref<256x128xf32, #tpu.memory_space<vmem>>, vector<1x16xf32>,
      %get3A_617 = vector.shape_cast %get3A_616 : vector<1x16xf32> to vector<16xf32>
      %lt3A_618 = arith.cmpf olt, %get3A_617, %scan3A_585 : vector<16xf32>
      %select_n3A_619 = arith.select %lt3A_618, %get3A_617, %scan3A_585 : vector<16xi1>, vector<16xf32>
      %broadcast_in_dim3A_620 = vector.broadcast %convert_element_type3A : f32 to vector<16xf32>
      %select_n3A_621 = arith.select %lt3A_618, %broadcast_in_dim3A_620, %scan3A_586 : vector<16xi1>, vector<16xf32>
      %get3A_622 = arith.constant 0 : i32
      %get3A_623 = arith.constant 0 : i32
      %get3A_624 = tpu.memref_slice %arg4[%scan3A, %get3A_622, %get3A_623] : memref<2x256x128xf32, #tpu.memory_space<vmem>> -> memref<1x256x128xf32, #tpu.memory_space<vmem>>
      %get3A_625 = tpu.memref_squeeze %get3A_624 : memref<1x256x128xf32, #tpu.memory_space<vmem>> -> memref<256x128xf32, #tpu.memory_space<vmem>>
      %get3A_626 = arith.index_cast %scan3A_582 : i32 to index
      %get3A_627 = arith.constant 32 : index
      %get3A_628 = tpu.vector_load %get3A_625[%get3A_626, %get3A_627] {strides = array<i32>} : memref<256x128xf32, #tpu.memory_space<vmem>>, vector<1x16xf32>,
      %get3A_629 = vector.shape_cast %get3A_628 : vector<1x16xf32> to vector<16xf32>
      %lt3A_630 = arith.cmpf olt, %get3A_629, %scan3A_587 : vector<16xf32>
      %select_n3A_631 = arith.select %lt3A_630, %get3A_629, %scan3A_587 : vector<16xi1>, vector<16xf32>
      %broadcast_in_dim3A_632 = vector.broadcast %convert_element_type3A : f32 to vector<16xf32>
      %select_n3A_633 = arith.select %lt3A_630, %broadcast_in_dim3A_632, %scan3A_588 : vector<16xi1>, vector<16xf32>
      %get3A_634 = arith.constant 0 : i32
      %get3A_635 = arith.constant 0 : i32
      %get3A_636 = tpu.memref_slice %arg4[%scan3A, %get3A_634, %get3A_635] : memref<2x256x128xf32, #tpu.memory_space<vmem>> -> memref<1x256x128xf32, #tpu.memory_space<vmem>>
      %get3A_637 = tpu.memref_squeeze %get3A_636 : memref<1x256x128xf32, #tpu.memory_space<vmem>> -> memref<256x128xf32, #tpu.memory_space<vmem>>
      %get3A_638 = arith.index_cast %scan3A_582 : i32 to index
      %get3A_639 = arith.constant 48 : index
      %get3A_640 = tpu.vector_load %get3A_637[%get3A_638, %get3A_639] {strides = array<i32>} : memref<256x128xf32, #tpu.memory_space<vmem>>, vector<1x16xf32>,
      %get3A_641 = vector.shape_cast %get3A_640 : vector<1x16xf32> to vector<16xf32>
      %lt3A_642 = arith.cmpf olt, %get3A_641, %scan3A_589 : vector<16xf32>
      %select_n3A_643 = arith.select %lt3A_642, %get3A_641, %scan3A_589 : vector<16xi1>, vector<16xf32>
      %broadcast_in_dim3A_644 = vector.broadcast %convert_element_type3A : f32 to vector<16xf32>
      %select_n3A_645 = arith.select %lt3A_642, %broadcast_in_dim3A_644, %scan3A_590 : vector<16xi1>, vector<16xf32>
      %get3A_646 = arith.constant 0 : i32
      %get3A_647 = arith.constant 0 : i32
      %get3A_648 = tpu.memref_slice %arg4[%scan3A, %get3A_646, %get3A_647] : memref<2x256x128xf32, #tpu.memory_space<vmem>> -> memref<1x256x128xf32, #tpu.memory_space<vmem>>
      %get3A_649 = tpu.memref_squeeze %get3A_648 : memref<1x256x128xf32, #tpu.memory_space<vmem>> -> memref<256x128xf32, #tpu.memory_space<vmem>>
      %get3A_650 = arith.index_cast %scan3A_582 : i32 to index
      %get3A_651 = arith.constant 64 : index
      %get3A_652 = tpu.vector_load %get3A_649[%get3A_650, %get3A_651] {strides = array<i32>} : memref<256x128xf32, #tpu.memory_space<vmem>>, vector<1x16xf32>,
      %get3A_653 = vector.shape_cast %get3A_652 : vector<1x16xf32> to vector<16xf32>
      %lt3A_654 = arith.cmpf olt, %get3A_653, %scan3A_591 : vector<16xf32>
      %select_n3A_655 = arith.select %lt3A_654, %get3A_653, %scan3A_591 : vector<16xi1>, vector<16xf32>
      %broadcast_in_dim3A_656 = vector.broadcast %convert_element_type3A : f32 to vector<16xf32>
      %select_n3A_657 = arith.select %lt3A_654, %broadcast_in_dim3A_656, %scan3A_592 : vector<16xi1>, vector<16xf32>
      %get3A_658 = arith.constant 0 : i32
      %get3A_659 = arith.constant 0 : i32
      %get3A_660 = tpu.memref_slice %arg4[%scan3A, %get3A_658, %get3A_659] : memref<2x256x128xf32, #tpu.memory_space<vmem>> -> memref<1x256x128xf32, #tpu.memory_space<vmem>>
      %get3A_661 = tpu.memref_squeeze %get3A_660 : memref<1x256x128xf32, #tpu.memory_space<vmem>> -> memref<256x128xf32, #tpu.memory_space<vmem>>
      %get3A_662 = arith.index_cast %scan3A_582 : i32 to index
      %get3A_663 = arith.constant 80 : index
      %get3A_664 = tpu.vector_load %get3A_661[%get3A_662, %get3A_663] {strides = array<i32>} : memref<256x128xf32, #tpu.memory_space<vmem>>, vector<1x16xf32>,
      %get3A_665 = vector.shape_cast %get3A_664 : vector<1x16xf32> to vector<16xf32>
      %lt3A_666 = arith.cmpf olt, %get3A_665, %scan3A_593 : vector<16xf32>
      %select_n3A_667 = arith.select %lt3A_666, %get3A_665, %scan3A_593 : vector<16xi1>, vector<16xf32>
      %broadcast_in_dim3A_668 = vector.broadcast %convert_element_type3A : f32 to vector<16xf32>
      %select_n3A_669 = arith.select %lt3A_666, %broadcast_in_dim3A_668, %scan3A_594 : vector<16xi1>, vector<16xf32>
      %get3A_670 = arith.constant 0 : i32
      %get3A_671 = arith.constant 0 : i32
      %get3A_672 = tpu.memref_slice %arg4[%scan3A, %get3A_670, %get3A_671] : memref<2x256x128xf32, #tpu.memory_space<vmem>> -> memref<1x256x128xf32, #tpu.memory_space<vmem>>
      %get3A_673 = tpu.memref_squeeze %get3A_672 : memref<1x256x128xf32, #tpu.memory_space<vmem>> -> memref<256x128xf32, #tpu.memory_space<vmem>>
      %get3A_674 = arith.index_cast %scan3A_582 : i32 to index
      %get3A_675 = arith.constant 96 : index
      %get3A_676 = tpu.vector_load %get3A_673[%get3A_674, %get3A_675] {strides = array<i32>} : memref<256x128xf32, #tpu.memory_space<vmem>>, vector<1x16xf32>,
      %get3A_677 = vector.shape_cast %get3A_676 : vector<1x16xf32> to vector<16xf32>
      %lt3A_678 = arith.cmpf olt, %get3A_677, %scan3A_595 : vector<16xf32>
      %select_n3A_679 = arith.select %lt3A_678, %get3A_677, %scan3A_595 : vector<16xi1>, vector<16xf32>
      %broadcast_in_dim3A_680 = vector.broadcast %convert_element_type3A : f32 to vector<16xf32>
      %select_n3A_681 = arith.select %lt3A_678, %broadcast_in_dim3A_680, %scan3A_596 : vector<16xi1>, vector<16xf32>
      %get3A_682 = arith.constant 0 : i32
      %get3A_683 = arith.constant 0 : i32
      %get3A_684 = tpu.memref_slice %arg4[%scan3A, %get3A_682, %get3A_683] : memref<2x256x128xf32, #tpu.memory_space<vmem>> -> memref<1x256x128xf32, #tpu.memory_space<vmem>>
      %get3A_685 = tpu.memref_squeeze %get3A_684 : memref<1x256x128xf32, #tpu.memory_space<vmem>> -> memref<256x128xf32, #tpu.memory_space<vmem>>
      %get3A_686 = arith.index_cast %scan3A_582 : i32 to index
      %get3A_687 = arith.constant 112 : index
      %get3A_688 = tpu.vector_load %get3A_685[%get3A_686, %get3A_687] {strides = array<i32>} : memref<256x128xf32, #tpu.memory_space<vmem>>, vector<1x16xf32>,
      %get3A_689 = vector.shape_cast %get3A_688 : vector<1x16xf32> to vector<16xf32>
      %lt3A_690 = arith.cmpf olt, %get3A_689, %scan3A_597 : vector<16xf32>
      %select_n3A_691 = arith.select %lt3A_690, %get3A_689, %scan3A_597 : vector<16xi1>, vector<16xf32>
      %broadcast_in_dim3A_692 = vector.broadcast %convert_element_type3A : f32 to vector<16xf32>
      %select_n3A_693 = arith.select %lt3A_690, %broadcast_in_dim3A_692, %scan3A_598 : vector<16xi1>, vector<16xf32>
      scf.yield %select_n3A, %select_n3A_609, %select_n3A_619, %select_n3A_621, %select_n3A_631, %select_n3A_633, %select_n3A_643, %select_n3A_645, %select_n3A_655, %select_n3A_657, %select_n3A_667, %select_n3A_669, %select_n3A_679, %select_n3A_681, %select_n3A_691, %select_n3A_693 : vector<16xf32>, vector<16xf32>, vector<16xf32>, vector<16xf32>, vector<16xf32>, vector<16xf32>, vector<16xf32>, vector<16xf32>, vector<16xf32>, vector<16xf32>, vector<16xf32>, vector<16xf32>, vector<16xf32>, vector<16xf32>, vector<16xf32>, vector<16xf32>
    }
    %scan3A_89 = arith.constant 256 : i32
    %add3A_90 = arith.constant 128 : i32
    %add3A_91 = arith.addi %mul3A_2, %add3A_90 : i32
    %dma_start3A_92 = arith.constant 0 : i32
    %dma_start3A_93 = arith.constant 0 : i32
    %dma_start3A_94 = arith.constant 0 : i32
    %dma_start3A_95 = arith.constant 0 : i32
    %dma_start3A_96 = tpu.memref_slice %arg4[%dma_start3A_92, %dma_start3A_94, %dma_start3A_95] : memref<2x256x128xf32, #tpu.memory_space<vmem>> -> memref<1x256x128xf32, #tpu.memory_space<vmem>>
    %dma_start3A_97 = tpu.memref_squeeze %dma_start3A_96 : memref<1x256x128xf32, #tpu.memory_space<vmem>> -> memref<256x128xf32, #tpu.memory_space<vmem>>
    %dma_start3A_98 = arith.constant 0 : i32
    %dma_start3A_99 = tpu.memref_slice %arg2[%dma_start3A_98, %add3A_91] : memref<512x16384xf32, #tpu.memory_space<hbm>> -> memref<256x128xf32, #tpu.memory_space<hbm>>
    %dma_start3A_100 = tpu.memref_slice %arg6[%dma_start3A_93] : memref<2x!tpu.dma_semaphore, #tpu.memory_space<semaphore_mem>> -> memref<1x!tpu.dma_semaphore, #tpu.memory_space<semaphore_mem>>
    %dma_start3A_101 = tpu.memref_squeeze %dma_start3A_100 : memref<1x!tpu.dma_semaphore, #tpu.memory_space<semaphore_mem>> -> memref<!tpu.dma_semaphore, #tpu.memory_space<semaphore_mem>>
    %dma_start3A_102 = arith.constant 0 : i32
    %dma_start3A_103 = arith.constant 0 : i32
    %dma_start3A_104 = tpu.memref_slice %arg4[%dma_start3A_92, %dma_start3A_102, %dma_start3A_103] : memref<2x256x128xf32, #tpu.memory_space<vmem>> -> memref<1x256x128xf32, #tpu.memory_space<vmem>>
    %dma_start3A_105 = tpu.memref_squeeze %dma_start3A_104 : memref<1x256x128xf32, #tpu.memory_space<vmem>> -> memref<256x128xf32, #tpu.memory_space<vmem>>
    %dma_start3A_106 = arith.constant 0 : i32
    %dma_start3A_107 = tpu.memref_slice %arg2[%dma_start3A_106, %add3A_91] : memref<512x16384xf32, #tpu.memory_space<hbm>> -> memref<256x128xf32, #tpu.memory_space<hbm>>
    tpu.enqueue_dma source(%dma_start3A_107 : memref<256x128xf32, #tpu.memory_space<hbm>>) target(%dma_start3A_105 : memref<256x128xf32, #tpu.memory_space<vmem>>) target_semaphore(%dma_start3A_101 : memref<!tpu.dma_semaphore, #tpu.memory_space<semaphore_mem>>)
    %dma_wait3A_108 = arith.constant 1 : i32
    %dma_wait3A_109 = arith.constant 1 : i32
    %dma_wait3A_110 = arith.constant 0 : i32
    %dma_wait3A_111 = arith.constant 0 : i32
    %dma_wait3A_112 = tpu.memref_slice %arg4[%dma_wait3A_108, %dma_wait3A_110, %dma_wait3A_111] : memref<2x256x128xf32, #tpu.memory_space<vmem>> -> memref<1x256x128xf32, #tpu.memory_space<vmem>>
    %dma_wait3A_113 = tpu.memref_squeeze %dma_wait3A_112 : memref<1x256x128xf32, #tpu.memory_space<vmem>> -> memref<256x128xf32, #tpu.memory_space<vmem>>
    %dma_wait3A_114 = arith.constant 256 : i32
    %dma_wait3A_115 = tpu.memref_slice %arg2[%dma_wait3A_114, %add3A_21] : memref<512x16384xf32, #tpu.memory_space<hbm>> -> memref<256x128xf32, #tpu.memory_space<hbm>>
    %dma_wait3A_116 = tpu.memref_slice %arg6[%dma_wait3A_109] : memref<2x!tpu.dma_semaphore, #tpu.memory_space<semaphore_mem>> -> memref<1x!tpu.dma_semaphore, #tpu.memory_space<semaphore_mem>>
    %dma_wait3A_117 = tpu.memref_squeeze %dma_wait3A_116 : memref<1x!tpu.dma_semaphore, #tpu.memory_space<semaphore_mem>> -> memref<!tpu.dma_semaphore, #tpu.memory_space<semaphore_mem>>
    %dma_wait3A_118 = arith.constant 0 : i32
    %dma_wait3A_119 = arith.constant 0 : i32
    %dma_wait3A_120 = tpu.memref_slice %arg4[%dma_wait3A_108, %dma_wait3A_118, %dma_wait3A_119] : memref<2x256x128xf32, #tpu.memory_space<vmem>> -> memref<1x256x128xf32, #tpu.memory_space<vmem>>
    %dma_wait3A_121 = tpu.memref_squeeze %dma_wait3A_120 : memref<1x256x128xf32, #tpu.memory_space<vmem>> -> memref<256x128xf32, #tpu.memory_space<vmem>>
    %dma_wait3A_122 = arith.constant 256 : i32
    %dma_wait3A_123 = tpu.memref_slice %arg2[%dma_wait3A_122, %add3A_21] : memref<512x16384xf32, #tpu.memory_space<hbm>> -> memref<256x128xf32, #tpu.memory_space<hbm>>
    tpu.wait_dma2 semaphore(%dma_wait3A_117 : memref<!tpu.dma_semaphore, #tpu.memory_space<semaphore_mem>>) src(%dma_wait3A_123 : memref<256x128xf32, #tpu.memory_space<hbm>>) dst(%dma_wait3A_121 : memref<256x128xf32, #tpu.memory_space<vmem>>)
    %scan3A_124 = arith.constant 1 : i32
    %scan3A_125 = arith.constant 0 : i32
    %scan3A_126 = arith.constant 256 : i32
    %scan3A_127 = arith.addi %scan3A_125, %scan3A_126 : i32
    %scan3A_128 = arith.constant 1 : i32
    %scan3A_129:16 = scf.for %scan3A_582 = %scan3A_125 to %scan3A_127 step %scan3A_128 iter_args(%scan3A_583 = %scan3A_88#0, %scan3A_584 = %scan3A_88#1, %scan3A_585 = %scan3A_88#2, %scan3A_586 = %scan3A_88#3, %scan3A_587 = %scan3A_88#4, %scan3A_588 = %scan3A_88#5, %scan3A_589 = %scan3A_88#6, %scan3A_590 = %scan3A_88#7, %scan3A_591 = %scan3A_88#8, %scan3A_592 = %scan3A_88#9, %scan3A_593 = %scan3A_88#10, %scan3A_594 = %scan3A_88#11, %scan3A_595 = %scan3A_88#12, %scan3A_596 = %scan3A_88#13, %scan3A_597 = %scan3A_88#14, %scan3A_598 = %scan3A_88#15) -> (vector<16xf32>, vector<16xf32>, vector<16xf32>, vector<16xf32>, vector<16xf32>, vector<16xf32>, vector<16xf32>, vector<16xf32>, vector<16xf32>, vector<16xf32>, vector<16xf32>, vector<16xf32>, vector<16xf32>, vector<16xf32>, vector<16xf32>, vector<16xf32>)  : i32 {
      %add3A_599 = arith.constant 256 : i32
      %add3A_600 = arith.addi %scan3A_582, %add3A_599 : i32
      %convert_element_type3A = arith.sitofp %add3A_600 : i32 to f32
      %get3A = arith.constant 0 : i32
      %get3A_601 = arith.constant 0 : i32
      %get3A_602 = tpu.memref_slice %arg4[%scan3A_124, %get3A, %get3A_601] : memref<2x256x128xf32, #tpu.memory_space<vmem>> -> memref<1x256x128xf32, #tpu.memory_space<vmem>>
      %get3A_603 = tpu.memref_squeeze %get3A_602 : memref<1x256x128xf32, #tpu.memory_space<vmem>> -> memref<256x128xf32, #tpu.memory_space<vmem>>
      %get3A_604 = arith.index_cast %scan3A_582 : i32 to index
      %get3A_605 = arith.constant 0 : index
      %get3A_606 = tpu.vector_load %get3A_603[%get3A_604, %get3A_605] {strides = array<i32>} : memref<256x128xf32, #tpu.memory_space<vmem>>, vector<1x16xf32>,
      %get3A_607 = vector.shape_cast %get3A_606 : vector<1x16xf32> to vector<16xf32>
      %lt3A = arith.cmpf olt, %get3A_607, %scan3A_583 : vector<16xf32>
      %select_n3A = arith.select %lt3A, %get3A_607, %scan3A_583 : vector<16xi1>, vector<16xf32>
      %broadcast_in_dim3A_608 = vector.broadcast %convert_element_type3A : f32 to vector<16xf32>
      %select_n3A_609 = arith.select %lt3A, %broadcast_in_dim3A_608, %scan3A_584 : vector<16xi1>, vector<16xf32>
      %get3A_610 = arith.constant 0 : i32
      %get3A_611 = arith.constant 0 : i32
      %get3A_612 = tpu.memref_slice %arg4[%scan3A_124, %get3A_610, %get3A_611] : memref<2x256x128xf32, #tpu.memory_space<vmem>> -> memref<1x256x128xf32, #tpu.memory_space<vmem>>
      %get3A_613 = tpu.memref_squeeze %get3A_612 : memref<1x256x128xf32, #tpu.memory_space<vmem>> -> memref<256x128xf32, #tpu.memory_space<vmem>>
      %get3A_614 = arith.index_cast %scan3A_582 : i32 to index
      %get3A_615 = arith.constant 16 : index
      %get3A_616 = tpu.vector_load %get3A_613[%get3A_614, %get3A_615] {strides = array<i32>} : memref<256x128xf32, #tpu.memory_space<vmem>>, vector<1x16xf32>,
      %get3A_617 = vector.shape_cast %get3A_616 : vector<1x16xf32> to vector<16xf32>
      %lt3A_618 = arith.cmpf olt, %get3A_617, %scan3A_585 : vector<16xf32>
      %select_n3A_619 = arith.select %lt3A_618, %get3A_617, %scan3A_585 : vector<16xi1>, vector<16xf32>
      %broadcast_in_dim3A_620 = vector.broadcast %convert_element_type3A : f32 to vector<16xf32>
      %select_n3A_621 = arith.select %lt3A_618, %broadcast_in_dim3A_620, %scan3A_586 : vector<16xi1>, vector<16xf32>
      %get3A_622 = arith.constant 0 : i32
      %get3A_623 = arith.constant 0 : i32
      %get3A_624 = tpu.memref_slice %arg4[%scan3A_124, %get3A_622, %get3A_623] : memref<2x256x128xf32, #tpu.memory_space<vmem>> -> memref<1x256x128xf32, #tpu.memory_space<vmem>>
      %get3A_625 = tpu.memref_squeeze %get3A_624 : memref<1x256x128xf32, #tpu.memory_space<vmem>> -> memref<256x128xf32, #tpu.memory_space<vmem>>
      %get3A_626 = arith.index_cast %scan3A_582 : i32 to index
      %get3A_627 = arith.constant 32 : index
      %get3A_628 = tpu.vector_load %get3A_625[%get3A_626, %get3A_627] {strides = array<i32>} : memref<256x128xf32, #tpu.memory_space<vmem>>, vector<1x16xf32>,
      %get3A_629 = vector.shape_cast %get3A_628 : vector<1x16xf32> to vector<16xf32>
      %lt3A_630 = arith.cmpf olt, %get3A_629, %scan3A_587 : vector<16xf32>
      %select_n3A_631 = arith.select %lt3A_630, %get3A_629, %scan3A_587 : vector<16xi1>, vector<16xf32>
      %broadcast_in_dim3A_632 = vector.broadcast %convert_element_type3A : f32 to vector<16xf32>
      %select_n3A_633 = arith.select %lt3A_630, %broadcast_in_dim3A_632, %scan3A_588 : vector<16xi1>, vector<16xf32>
      %get3A_634 = arith.constant 0 : i32
      %get3A_635 = arith.constant 0 : i32
      %get3A_636 = tpu.memref_slice %arg4[%scan3A_124, %get3A_634, %get3A_635] : memref<2x256x128xf32, #tpu.memory_space<vmem>> -> memref<1x256x128xf32, #tpu.memory_space<vmem>>
      %get3A_637 = tpu.memref_squeeze %get3A_636 : memref<1x256x128xf32, #tpu.memory_space<vmem>> -> memref<256x128xf32, #tpu.memory_space<vmem>>
      %get3A_638 = arith.index_cast %scan3A_582 : i32 to index
      %get3A_639 = arith.constant 48 : index
      %get3A_640 = tpu.vector_load %get3A_637[%get3A_638, %get3A_639] {strides = array<i32>} : memref<256x128xf32, #tpu.memory_space<vmem>>, vector<1x16xf32>,
      %get3A_641 = vector.shape_cast %get3A_640 : vector<1x16xf32> to vector<16xf32>
      %lt3A_642 = arith.cmpf olt, %get3A_641, %scan3A_589 : vector<16xf32>
      %select_n3A_643 = arith.select %lt3A_642, %get3A_641, %scan3A_589 : vector<16xi1>, vector<16xf32>
      %broadcast_in_dim3A_644 = vector.broadcast %convert_element_type3A : f32 to vector<16xf32>
      %select_n3A_645 = arith.select %lt3A_642, %broadcast_in_dim3A_644, %scan3A_590 : vector<16xi1>, vector<16xf32>
      %get3A_646 = arith.constant 0 : i32
      %get3A_647 = arith.constant 0 : i32
      %get3A_648 = tpu.memref_slice %arg4[%scan3A_124, %get3A_646, %get3A_647] : memref<2x256x128xf32, #tpu.memory_space<vmem>> -> memref<1x256x128xf32, #tpu.memory_space<vmem>>
      %get3A_649 = tpu.memref_squeeze %get3A_648 : memref<1x256x128xf32, #tpu.memory_space<vmem>> -> memref<256x128xf32, #tpu.memory_space<vmem>>
      %get3A_650 = arith.index_cast %scan3A_582 : i32 to index
      %get3A_651 = arith.constant 64 : index
      %get3A_652 = tpu.vector_load %get3A_649[%get3A_650, %get3A_651] {strides = array<i32>} : memref<256x128xf32, #tpu.memory_space<vmem>>, vector<1x16xf32>,
      %get3A_653 = vector.shape_cast %get3A_652 : vector<1x16xf32> to vector<16xf32>
      %lt3A_654 = arith.cmpf olt, %get3A_653, %scan3A_591 : vector<16xf32>
      %select_n3A_655 = arith.select %lt3A_654, %get3A_653, %scan3A_591 : vector<16xi1>, vector<16xf32>
      %broadcast_in_dim3A_656 = vector.broadcast %convert_element_type3A : f32 to vector<16xf32>
      %select_n3A_657 = arith.select %lt3A_654, %broadcast_in_dim3A_656, %scan3A_592 : vector<16xi1>, vector<16xf32>
      %get3A_658 = arith.constant 0 : i32
      %get3A_659 = arith.constant 0 : i32
      %get3A_660 = tpu.memref_slice %arg4[%scan3A_124, %get3A_658, %get3A_659] : memref<2x256x128xf32, #tpu.memory_space<vmem>> -> memref<1x256x128xf32, #tpu.memory_space<vmem>>
      %get3A_661 = tpu.memref_squeeze %get3A_660 : memref<1x256x128xf32, #tpu.memory_space<vmem>> -> memref<256x128xf32, #tpu.memory_space<vmem>>
      %get3A_662 = arith.index_cast %scan3A_582 : i32 to index
      %get3A_663 = arith.constant 80 : index
      %get3A_664 = tpu.vector_load %get3A_661[%get3A_662, %get3A_663] {strides = array<i32>} : memref<256x128xf32, #tpu.memory_space<vmem>>, vector<1x16xf32>,
      %get3A_665 = vector.shape_cast %get3A_664 : vector<1x16xf32> to vector<16xf32>
      %lt3A_666 = arith.cmpf olt, %get3A_665, %scan3A_593 : vector<16xf32>
      %select_n3A_667 = arith.select %lt3A_666, %get3A_665, %scan3A_593 : vector<16xi1>, vector<16xf32>
      %broadcast_in_dim3A_668 = vector.broadcast %convert_element_type3A : f32 to vector<16xf32>
      %select_n3A_669 = arith.select %lt3A_666, %broadcast_in_dim3A_668, %scan3A_594 : vector<16xi1>, vector<16xf32>
      %get3A_670 = arith.constant 0 : i32
      %get3A_671 = arith.constant 0 : i32
      %get3A_672 = tpu.memref_slice %arg4[%scan3A_124, %get3A_670, %get3A_671] : memref<2x256x128xf32, #tpu.memory_space<vmem>> -> memref<1x256x128xf32, #tpu.memory_space<vmem>>
      %get3A_673 = tpu.memref_squeeze %get3A_672 : memref<1x256x128xf32, #tpu.memory_space<vmem>> -> memref<256x128xf32, #tpu.memory_space<vmem>>
      %get3A_674 = arith.index_cast %scan3A_582 : i32 to index
      %get3A_675 = arith.constant 96 : index
      %get3A_676 = tpu.vector_load %get3A_673[%get3A_674, %get3A_675] {strides = array<i32>} : memref<256x128xf32, #tpu.memory_space<vmem>>, vector<1x16xf32>,
      %get3A_677 = vector.shape_cast %get3A_676 : vector<1x16xf32> to vector<16xf32>
      %lt3A_678 = arith.cmpf olt, %get3A_677, %scan3A_595 : vector<16xf32>
      %select_n3A_679 = arith.select %lt3A_678, %get3A_677, %scan3A_595 : vector<16xi1>, vector<16xf32>
      %broadcast_in_dim3A_680 = vector.broadcast %convert_element_type3A : f32 to vector<16xf32>
      %select_n3A_681 = arith.select %lt3A_678, %broadcast_in_dim3A_680, %scan3A_596 : vector<16xi1>, vector<16xf32>
      %get3A_682 = arith.constant 0 : i32
      %get3A_683 = arith.constant 0 : i32
      %get3A_684 = tpu.memref_slice %arg4[%scan3A_124, %get3A_682, %get3A_683] : memref<2x256x128xf32, #tpu.memory_space<vmem>> -> memref<1x256x128xf32, #tpu.memory_space<vmem>>
      %get3A_685 = tpu.memref_squeeze %get3A_684 : memref<1x256x128xf32, #tpu.memory_space<vmem>> -> memref<256x128xf32, #tpu.memory_space<vmem>>
      %get3A_686 = arith.index_cast %scan3A_582 : i32 to index
      %get3A_687 = arith.constant 112 : index
      %get3A_688 = tpu.vector_load %get3A_685[%get3A_686, %get3A_687] {strides = array<i32>} : memref<256x128xf32, #tpu.memory_space<vmem>>, vector<1x16xf32>,
      %get3A_689 = vector.shape_cast %get3A_688 : vector<1x16xf32> to vector<16xf32>
      %lt3A_690 = arith.cmpf olt, %get3A_689, %scan3A_597 : vector<16xf32>
      %select_n3A_691 = arith.select %lt3A_690, %get3A_689, %scan3A_597 : vector<16xi1>, vector<16xf32>
      %broadcast_in_dim3A_692 = vector.broadcast %convert_element_type3A : f32 to vector<16xf32>
      %select_n3A_693 = arith.select %lt3A_690, %broadcast_in_dim3A_692, %scan3A_598 : vector<16xi1>, vector<16xf32>
      scf.yield %select_n3A, %select_n3A_609, %select_n3A_619, %select_n3A_621, %select_n3A_631, %select_n3A_633, %select_n3A_643, %select_n3A_645, %select_n3A_655, %select_n3A_657, %select_n3A_667, %select_n3A_669, %select_n3A_679, %select_n3A_681, %select_n3A_691, %select_n3A_693 : vector<16xf32>, vector<16xf32>, vector<16xf32>, vector<16xf32>, vector<16xf32>, vector<16xf32>, vector<16xf32>, vector<16xf32>, vector<16xf32>, vector<16xf32>, vector<16xf32>, vector<16xf32>, vector<16xf32>, vector<16xf32>, vector<16xf32>, vector<16xf32>
    }
    %scan3A_130 = arith.constant 256 : i32
    %swap3A = arith.constant 0 : index
    %swap3A_131 = tpu.vector_load %arg5[%swap3A] {strides = array<i32>} : memref<512xf32, #tpu.memory_space<vmem>>, vector<16xf32>,
    %swap3A_132 = vector.shape_cast %swap3A_131 : vector<16xf32> to vector<16xf32>
    %swap3A_133 = vector.shape_cast %scan3A_129#1 : vector<16xf32> to vector<16xf32>
    tpu.vector_store %arg5[%swap3A], %swap3A_133 {strides = array<i32>} : memref<512xf32, #tpu.memory_space<vmem>>, vector<16xf32>,
    %swap3A_134 = arith.constant 16 : index
    %swap3A_135 = tpu.vector_load %arg5[%swap3A_134] {strides = array<i32>} : memref<512xf32, #tpu.memory_space<vmem>>, vector<16xf32>,
    %swap3A_136 = vector.shape_cast %swap3A_135 : vector<16xf32> to vector<16xf32>
    %swap3A_137 = vector.shape_cast %scan3A_129#3 : vector<16xf32> to vector<16xf32>
    tpu.vector_store %arg5[%swap3A_134], %swap3A_137 {strides = array<i32>} : memref<512xf32, #tpu.memory_space<vmem>>, vector<16xf32>,
    %swap3A_138 = arith.constant 32 : index
    %swap3A_139 = tpu.vector_load %arg5[%swap3A_138] {strides = array<i32>} : memref<512xf32, #tpu.memory_space<vmem>>, vector<16xf32>,
    %swap3A_140 = vector.shape_cast %swap3A_139 : vector<16xf32> to vector<16xf32>
    %swap3A_141 = vector.shape_cast %scan3A_129#5 : vector<16xf32> to vector<16xf32>
    tpu.vector_store %arg5[%swap3A_138], %swap3A_141 {strides = array<i32>} : memref<512xf32, #tpu.memory_space<vmem>>, vector<16xf32>,
    %swap3A_142 = arith.constant 48 : index
    %swap3A_143 = tpu.vector_load %arg5[%swap3A_142] {strides = array<i32>} : memref<512xf32, #tpu.memory_space<vmem>>, vector<16xf32>,
    %swap3A_144 = vector.shape_cast %swap3A_143 : vector<16xf32> to vector<16xf32>
    %swap3A_145 = vector.shape_cast %scan3A_129#7 : vector<16xf32> to vector<16xf32>
    tpu.vector_store %arg5[%swap3A_142], %swap3A_145 {strides = array<i32>} : memref<512xf32, #tpu.memory_space<vmem>>, vector<16xf32>,
    %swap3A_146 = arith.constant 64 : index
    %swap3A_147 = tpu.vector_load %arg5[%swap3A_146] {strides = array<i32>} : memref<512xf32, #tpu.memory_space<vmem>>, vector<16xf32>,
    %swap3A_148 = vector.shape_cast %swap3A_147 : vector<16xf32> to vector<16xf32>
    %swap3A_149 = vector.shape_cast %scan3A_129#9 : vector<16xf32> to vector<16xf32>
    tpu.vector_store %arg5[%swap3A_146], %swap3A_149 {strides = array<i32>} : memref<512xf32, #tpu.memory_space<vmem>>, vector<16xf32>,
    %swap3A_150 = arith.constant 80 : index
    %swap3A_151 = tpu.vector_load %arg5[%swap3A_150] {strides = array<i32>} : memref<512xf32, #tpu.memory_space<vmem>>, vector<16xf32>,
    %swap3A_152 = vector.shape_cast %swap3A_151 : vector<16xf32> to vector<16xf32>
    %swap3A_153 = vector.shape_cast %scan3A_129#11 : vector<16xf32> to vector<16xf32>
    tpu.vector_store %arg5[%swap3A_150], %swap3A_153 {strides = array<i32>} : memref<512xf32, #tpu.memory_space<vmem>>, vector<16xf32>,
    %swap3A_154 = arith.constant 96 : index
    %swap3A_155 = tpu.vector_load %arg5[%swap3A_154] {strides = array<i32>} : memref<512xf32, #tpu.memory_space<vmem>>, vector<16xf32>,
    %swap3A_156 = vector.shape_cast %swap3A_155 : vector<16xf32> to vector<16xf32>
    %swap3A_157 = vector.shape_cast %scan3A_129#13 : vector<16xf32> to vector<16xf32>
    tpu.vector_store %arg5[%swap3A_154], %swap3A_157 {strides = array<i32>} : memref<512xf32, #tpu.memory_space<vmem>>, vector<16xf32>,
    %swap3A_158 = arith.constant 112 : index
    %swap3A_159 = tpu.vector_load %arg5[%swap3A_158] {strides = array<i32>} : memref<512xf32, #tpu.memory_space<vmem>>, vector<16xf32>,
    %swap3A_160 = vector.shape_cast %swap3A_159 : vector<16xf32> to vector<16xf32>
    %swap3A_161 = vector.shape_cast %scan3A_129#15 : vector<16xf32> to vector<16xf32>
    tpu.vector_store %arg5[%swap3A_158], %swap3A_161 {strides = array<i32>} : memref<512xf32, #tpu.memory_space<vmem>>, vector<16xf32>,
    %add3A_162 = arith.constant 128 : i32
    %add3A_163 = arith.addi %mul3A_2, %add3A_162 : i32
    %dma_start3A_164 = arith.constant 1 : i32
    %dma_start3A_165 = arith.constant 1 : i32
    %dma_start3A_166 = arith.constant 0 : i32
    %dma_start3A_167 = arith.constant 0 : i32
    %dma_start3A_168 = tpu.memref_slice %arg4[%dma_start3A_164, %dma_start3A_166, %dma_start3A_167] : memref<2x256x128xf32, #tpu.memory_space<vmem>> -> memref<1x256x128xf32, #tpu.memory_space<vmem>>
    %dma_start3A_169 = tpu.memref_squeeze %dma_start3A_168 : memref<1x256x128xf32, #tpu.memory_space<vmem>> -> memref<256x128xf32, #tpu.memory_space<vmem>>
    %dma_start3A_170 = arith.constant 256 : i32
    %dma_start3A_171 = tpu.memref_slice %arg2[%dma_start3A_170, %add3A_163] : memref<512x16384xf32, #tpu.memory_space<hbm>> -> memref<256x128xf32, #tpu.memory_space<hbm>>
    %dma_start3A_172 = tpu.memref_slice %arg6[%dma_start3A_165] : memref<2x!tpu.dma_semaphore, #tpu.memory_space<semaphore_mem>> -> memref<1x!tpu.dma_semaphore, #tpu.memory_space<semaphore_mem>>
    %dma_start3A_173 = tpu.memref_squeeze %dma_start3A_172 : memref<1x!tpu.dma_semaphore, #tpu.memory_space<semaphore_mem>> -> memref<!tpu.dma_semaphore, #tpu.memory_space<semaphore_mem>>
    %dma_start3A_174 = arith.constant 0 : i32
    %dma_start3A_175 = arith.constant 0 : i32
    %dma_start3A_176 = tpu.memref_slice %arg4[%dma_start3A_164, %dma_start3A_174, %dma_start3A_175] : memref<2x256x128xf32, #tpu.memory_space<vmem>> -> memref<1x256x128xf32, #tpu.memory_space<vmem>>
    %dma_start3A_177 = tpu.memref_squeeze %dma_start3A_176 : memref<1x256x128xf32, #tpu.memory_space<vmem>> -> memref<256x128xf32, #tpu.memory_space<vmem>>
    %dma_start3A_178 = arith.constant 256 : i32
    %dma_start3A_179 = tpu.memref_slice %arg2[%dma_start3A_178, %add3A_163] : memref<512x16384xf32, #tpu.memory_space<hbm>> -> memref<256x128xf32, #tpu.memory_space<hbm>>
    tpu.enqueue_dma source(%dma_start3A_179 : memref<256x128xf32, #tpu.memory_space<hbm>>) target(%dma_start3A_177 : memref<256x128xf32, #tpu.memory_space<vmem>>) target_semaphore(%dma_start3A_173 : memref<!tpu.dma_semaphore, #tpu.memory_space<semaphore_mem>>)
    %dma_wait3A_180 = arith.constant 0 : i32
    %dma_wait3A_181 = arith.constant 0 : i32
    %dma_wait3A_182 = arith.constant 0 : i32
    %dma_wait3A_183 = arith.constant 0 : i32
    %dma_wait3A_184 = tpu.memref_slice %arg4[%dma_wait3A_180, %dma_wait3A_182, %dma_wait3A_183] : memref<2x256x128xf32, #tpu.memory_space<vmem>> -> memref<1x256x128xf32, #tpu.memory_space<vmem>>
    %dma_wait3A_185 = tpu.memref_squeeze %dma_wait3A_184 : memref<1x256x128xf32, #tpu.memory_space<vmem>> -> memref<256x128xf32, #tpu.memory_space<vmem>>
    %dma_wait3A_186 = arith.constant 0 : i32
    %dma_wait3A_187 = tpu.memref_slice %arg2[%dma_wait3A_186, %add3A_91] : memref<512x16384xf32, #tpu.memory_space<hbm>> -> memref<256x128xf32, #tpu.memory_space<hbm>>
    %dma_wait3A_188 = tpu.memref_slice %arg6[%dma_wait3A_181] : memref<2x!tpu.dma_semaphore, #tpu.memory_space<semaphore_mem>> -> memref<1x!tpu.dma_semaphore, #tpu.memory_space<semaphore_mem>>
    %dma_wait3A_189 = tpu.memref_squeeze %dma_wait3A_188 : memref<1x!tpu.dma_semaphore, #tpu.memory_space<semaphore_mem>> -> memref<!tpu.dma_semaphore, #tpu.memory_space<semaphore_mem>>
    %dma_wait3A_190 = arith.constant 0 : i32
    %dma_wait3A_191 = arith.constant 0 : i32
    %dma_wait3A_192 = tpu.memref_slice %arg4[%dma_wait3A_180, %dma_wait3A_190, %dma_wait3A_191] : memref<2x256x128xf32, #tpu.memory_space<vmem>> -> memref<1x256x128xf32, #tpu.memory_space<vmem>>
    %dma_wait3A_193 = tpu.memref_squeeze %dma_wait3A_192 : memref<1x256x128xf32, #tpu.memory_space<vmem>> -> memref<256x128xf32, #tpu.memory_space<vmem>>
    %dma_wait3A_194 = arith.constant 0 : i32
    %dma_wait3A_195 = tpu.memref_slice %arg2[%dma_wait3A_194, %add3A_91] : memref<512x16384xf32, #tpu.memory_space<hbm>> -> memref<256x128xf32, #tpu.memory_space<hbm>>
    tpu.wait_dma2 semaphore(%dma_wait3A_189 : memref<!tpu.dma_semaphore, #tpu.memory_space<semaphore_mem>>) src(%dma_wait3A_195 : memref<256x128xf32, #tpu.memory_space<hbm>>) dst(%dma_wait3A_193 : memref<256x128xf32, #tpu.memory_space<vmem>>)
    %broadcast_in_dim3A_196 = arith.constant 0x7F800000 : f32
    %broadcast_in_dim3A_197 = vector.broadcast %broadcast_in_dim3A_196 : f32 to vector<16xf32>
    %broadcast_in_dim3A_198 = arith.constant 0.000000e+00 : f32
    %broadcast_in_dim3A_199 = vector.broadcast %broadcast_in_dim3A_198 : f32 to vector<16xf32>
    %broadcast_in_dim3A_200 = arith.constant 0x7F800000 : f32
    %broadcast_in_dim3A_201 = vector.broadcast %broadcast_in_dim3A_200 : f32 to vector<16xf32>
    %broadcast_in_dim3A_202 = arith.constant 0.000000e+00 : f32
    %broadcast_in_dim3A_203 = vector.broadcast %broadcast_in_dim3A_202 : f32 to vector<16xf32>
    %broadcast_in_dim3A_204 = arith.constant 0x7F800000 : f32
    %broadcast_in_dim3A_205 = vector.broadcast %broadcast_in_dim3A_204 : f32 to vector<16xf32>
    %broadcast_in_dim3A_206 = arith.constant 0.000000e+00 : f32
    %broadcast_in_dim3A_207 = vector.broadcast %broadcast_in_dim3A_206 : f32 to vector<16xf32>
    %broadcast_in_dim3A_208 = arith.constant 0x7F800000 : f32
    %broadcast_in_dim3A_209 = vector.broadcast %broadcast_in_dim3A_208 : f32 to vector<16xf32>
    %broadcast_in_dim3A_210 = arith.constant 0.000000e+00 : f32
    %broadcast_in_dim3A_211 = vector.broadcast %broadcast_in_dim3A_210 : f32 to vector<16xf32>
    %broadcast_in_dim3A_212 = arith.constant 0x7F800000 : f32
    %broadcast_in_dim3A_213 = vector.broadcast %broadcast_in_dim3A_212 : f32 to vector<16xf32>
    %broadcast_in_dim3A_214 = arith.constant 0.000000e+00 : f32
    %broadcast_in_dim3A_215 = vector.broadcast %broadcast_in_dim3A_214 : f32 to vector<16xf32>
    %broadcast_in_dim3A_216 = arith.constant 0x7F800000 : f32
    %broadcast_in_dim3A_217 = vector.broadcast %broadcast_in_dim3A_216 : f32 to vector<16xf32>
    %broadcast_in_dim3A_218 = arith.constant 0.000000e+00 : f32
    %broadcast_in_dim3A_219 = vector.broadcast %broadcast_in_dim3A_218 : f32 to vector<16xf32>
    %broadcast_in_dim3A_220 = arith.constant 0x7F800000 : f32
    %broadcast_in_dim3A_221 = vector.broadcast %broadcast_in_dim3A_220 : f32 to vector<16xf32>
    %broadcast_in_dim3A_222 = arith.constant 0.000000e+00 : f32
    %broadcast_in_dim3A_223 = vector.broadcast %broadcast_in_dim3A_222 : f32 to vector<16xf32>
    %broadcast_in_dim3A_224 = arith.constant 0x7F800000 : f32
    %broadcast_in_dim3A_225 = vector.broadcast %broadcast_in_dim3A_224 : f32 to vector<16xf32>
    %broadcast_in_dim3A_226 = arith.constant 0.000000e+00 : f32
    %broadcast_in_dim3A_227 = vector.broadcast %broadcast_in_dim3A_226 : f32 to vector<16xf32>
    %scan3A_228 = arith.constant 0 : i32
    %scan3A_229 = arith.constant 0 : i32
    %scan3A_230 = arith.constant 256 : i32
    %scan3A_231 = arith.addi %scan3A_229, %scan3A_230 : i32
    %scan3A_232 = arith.constant 1 : i32
    %scan3A_233:16 = scf.for %scan3A_582 = %scan3A_229 to %scan3A_231 step %scan3A_232 iter_args(%scan3A_583 = %broadcast_in_dim3A_197, %scan3A_584 = %broadcast_in_dim3A_199, %scan3A_585 = %broadcast_in_dim3A_201, %scan3A_586 = %broadcast_in_dim3A_203, %scan3A_587 = %broadcast_in_dim3A_205, %scan3A_588 = %broadcast_in_dim3A_207, %scan3A_589 = %broadcast_in_dim3A_209, %scan3A_590 = %broadcast_in_dim3A_211, %scan3A_591 = %broadcast_in_dim3A_213, %scan3A_592 = %broadcast_in_dim3A_215, %scan3A_593 = %broadcast_in_dim3A_217, %scan3A_594 = %broadcast_in_dim3A_219, %scan3A_595 = %broadcast_in_dim3A_221, %scan3A_596 = %broadcast_in_dim3A_223, %scan3A_597 = %broadcast_in_dim3A_225, %scan3A_598 = %broadcast_in_dim3A_227) -> (vector<16xf32>, vector<16xf32>, vector<16xf32>, vector<16xf32>, vector<16xf32>, vector<16xf32>, vector<16xf32>, vector<16xf32>, vector<16xf32>, vector<16xf32>, vector<16xf32>, vector<16xf32>, vector<16xf32>, vector<16xf32>, vector<16xf32>, vector<16xf32>)  : i32 {
      %add3A_599 = arith.constant 0 : i32
      %add3A_600 = arith.addi %scan3A_582, %add3A_599 : i32
      %convert_element_type3A = arith.sitofp %add3A_600 : i32 to f32
      %get3A = arith.constant 0 : i32
      %get3A_601 = arith.constant 0 : i32
      %get3A_602 = tpu.memref_slice %arg4[%scan3A_228, %get3A, %get3A_601] : memref<2x256x128xf32, #tpu.memory_space<vmem>> -> memref<1x256x128xf32, #tpu.memory_space<vmem>>
      %get3A_603 = tpu.memref_squeeze %get3A_602 : memref<1x256x128xf32, #tpu.memory_space<vmem>> -> memref<256x128xf32, #tpu.memory_space<vmem>>
      %get3A_604 = arith.index_cast %scan3A_582 : i32 to index
      %get3A_605 = arith.constant 0 : index
      %get3A_606 = tpu.vector_load %get3A_603[%get3A_604, %get3A_605] {strides = array<i32>} : memref<256x128xf32, #tpu.memory_space<vmem>>, vector<1x16xf32>,
      %get3A_607 = vector.shape_cast %get3A_606 : vector<1x16xf32> to vector<16xf32>
      %lt3A = arith.cmpf olt, %get3A_607, %scan3A_583 : vector<16xf32>
      %select_n3A = arith.select %lt3A, %get3A_607, %scan3A_583 : vector<16xi1>, vector<16xf32>
      %broadcast_in_dim3A_608 = vector.broadcast %convert_element_type3A : f32 to vector<16xf32>
      %select_n3A_609 = arith.select %lt3A, %broadcast_in_dim3A_608, %scan3A_584 : vector<16xi1>, vector<16xf32>
      %get3A_610 = arith.constant 0 : i32
      %get3A_611 = arith.constant 0 : i32
      %get3A_612 = tpu.memref_slice %arg4[%scan3A_228, %get3A_610, %get3A_611] : memref<2x256x128xf32, #tpu.memory_space<vmem>> -> memref<1x256x128xf32, #tpu.memory_space<vmem>>
      %get3A_613 = tpu.memref_squeeze %get3A_612 : memref<1x256x128xf32, #tpu.memory_space<vmem>> -> memref<256x128xf32, #tpu.memory_space<vmem>>
      %get3A_614 = arith.index_cast %scan3A_582 : i32 to index
      %get3A_615 = arith.constant 16 : index
      %get3A_616 = tpu.vector_load %get3A_613[%get3A_614, %get3A_615] {strides = array<i32>} : memref<256x128xf32, #tpu.memory_space<vmem>>, vector<1x16xf32>,
      %get3A_617 = vector.shape_cast %get3A_616 : vector<1x16xf32> to vector<16xf32>
      %lt3A_618 = arith.cmpf olt, %get3A_617, %scan3A_585 : vector<16xf32>
      %select_n3A_619 = arith.select %lt3A_618, %get3A_617, %scan3A_585 : vector<16xi1>, vector<16xf32>
      %broadcast_in_dim3A_620 = vector.broadcast %convert_element_type3A : f32 to vector<16xf32>
      %select_n3A_621 = arith.select %lt3A_618, %broadcast_in_dim3A_620, %scan3A_586 : vector<16xi1>, vector<16xf32>
      %get3A_622 = arith.constant 0 : i32
      %get3A_623 = arith.constant 0 : i32
      %get3A_624 = tpu.memref_slice %arg4[%scan3A_228, %get3A_622, %get3A_623] : memref<2x256x128xf32, #tpu.memory_space<vmem>> -> memref<1x256x128xf32, #tpu.memory_space<vmem>>
      %get3A_625 = tpu.memref_squeeze %get3A_624 : memref<1x256x128xf32, #tpu.memory_space<vmem>> -> memref<256x128xf32, #tpu.memory_space<vmem>>
      %get3A_626 = arith.index_cast %scan3A_582 : i32 to index
      %get3A_627 = arith.constant 32 : index
      %get3A_628 = tpu.vector_load %get3A_625[%get3A_626, %get3A_627] {strides = array<i32>} : memref<256x128xf32, #tpu.memory_space<vmem>>, vector<1x16xf32>,
      %get3A_629 = vector.shape_cast %get3A_628 : vector<1x16xf32> to vector<16xf32>
      %lt3A_630 = arith.cmpf olt, %get3A_629, %scan3A_587 : vector<16xf32>
      %select_n3A_631 = arith.select %lt3A_630, %get3A_629, %scan3A_587 : vector<16xi1>, vector<16xf32>
      %broadcast_in_dim3A_632 = vector.broadcast %convert_element_type3A : f32 to vector<16xf32>
      %select_n3A_633 = arith.select %lt3A_630, %broadcast_in_dim3A_632, %scan3A_588 : vector<16xi1>, vector<16xf32>
      %get3A_634 = arith.constant 0 : i32
      %get3A_635 = arith.constant 0 : i32
      %get3A_636 = tpu.memref_slice %arg4[%scan3A_228, %get3A_634, %get3A_635] : memref<2x256x128xf32, #tpu.memory_space<vmem>> -> memref<1x256x128xf32, #tpu.memory_space<vmem>>
      %get3A_637 = tpu.memref_squeeze %get3A_636 : memref<1x256x128xf32, #tpu.memory_space<vmem>> -> memref<256x128xf32, #tpu.memory_space<vmem>>
      %get3A_638 = arith.index_cast %scan3A_582 : i32 to index
      %get3A_639 = arith.constant 48 : index
      %get3A_640 = tpu.vector_load %get3A_637[%get3A_638, %get3A_639] {strides = array<i32>} : memref<256x128xf32, #tpu.memory_space<vmem>>, vector<1x16xf32>,
      %get3A_641 = vector.shape_cast %get3A_640 : vector<1x16xf32> to vector<16xf32>
      %lt3A_642 = arith.cmpf olt, %get3A_641, %scan3A_589 : vector<16xf32>
      %select_n3A_643 = arith.select %lt3A_642, %get3A_641, %scan3A_589 : vector<16xi1>, vector<16xf32>
      %broadcast_in_dim3A_644 = vector.broadcast %convert_element_type3A : f32 to vector<16xf32>
      %select_n3A_645 = arith.select %lt3A_642, %broadcast_in_dim3A_644, %scan3A_590 : vector<16xi1>, vector<16xf32>
      %get3A_646 = arith.constant 0 : i32
      %get3A_647 = arith.constant 0 : i32
      %get3A_648 = tpu.memref_slice %arg4[%scan3A_228, %get3A_646, %get3A_647] : memref<2x256x128xf32, #tpu.memory_space<vmem>> -> memref<1x256x128xf32, #tpu.memory_space<vmem>>
      %get3A_649 = tpu.memref_squeeze %get3A_648 : memref<1x256x128xf32, #tpu.memory_space<vmem>> -> memref<256x128xf32, #tpu.memory_space<vmem>>
      %get3A_650 = arith.index_cast %scan3A_582 : i32 to index
      %get3A_651 = arith.constant 64 : index
      %get3A_652 = tpu.vector_load %get3A_649[%get3A_650, %get3A_651] {strides = array<i32>} : memref<256x128xf32, #tpu.memory_space<vmem>>, vector<1x16xf32>,
      %get3A_653 = vector.shape_cast %get3A_652 : vector<1x16xf32> to vector<16xf32>
      %lt3A_654 = arith.cmpf olt, %get3A_653, %scan3A_591 : vector<16xf32>
      %select_n3A_655 = arith.select %lt3A_654, %get3A_653, %scan3A_591 : vector<16xi1>, vector<16xf32>
      %broadcast_in_dim3A_656 = vector.broadcast %convert_element_type3A : f32 to vector<16xf32>
      %select_n3A_657 = arith.select %lt3A_654, %broadcast_in_dim3A_656, %scan3A_592 : vector<16xi1>, vector<16xf32>
      %get3A_658 = arith.constant 0 : i32
      %get3A_659 = arith.constant 0 : i32
      %get3A_660 = tpu.memref_slice %arg4[%scan3A_228, %get3A_658, %get3A_659] : memref<2x256x128xf32, #tpu.memory_space<vmem>> -> memref<1x256x128xf32, #tpu.memory_space<vmem>>
      %get3A_661 = tpu.memref_squeeze %get3A_660 : memref<1x256x128xf32, #tpu.memory_space<vmem>> -> memref<256x128xf32, #tpu.memory_space<vmem>>
      %get3A_662 = arith.index_cast %scan3A_582 : i32 to index
      %get3A_663 = arith.constant 80 : index
      %get3A_664 = tpu.vector_load %get3A_661[%get3A_662, %get3A_663] {strides = array<i32>} : memref<256x128xf32, #tpu.memory_space<vmem>>, vector<1x16xf32>,
      %get3A_665 = vector.shape_cast %get3A_664 : vector<1x16xf32> to vector<16xf32>
      %lt3A_666 = arith.cmpf olt, %get3A_665, %scan3A_593 : vector<16xf32>
      %select_n3A_667 = arith.select %lt3A_666, %get3A_665, %scan3A_593 : vector<16xi1>, vector<16xf32>
      %broadcast_in_dim3A_668 = vector.broadcast %convert_element_type3A : f32 to vector<16xf32>
      %select_n3A_669 = arith.select %lt3A_666, %broadcast_in_dim3A_668, %scan3A_594 : vector<16xi1>, vector<16xf32>
      %get3A_670 = arith.constant 0 : i32
      %get3A_671 = arith.constant 0 : i32
      %get3A_672 = tpu.memref_slice %arg4[%scan3A_228, %get3A_670, %get3A_671] : memref<2x256x128xf32, #tpu.memory_space<vmem>> -> memref<1x256x128xf32, #tpu.memory_space<vmem>>
      %get3A_673 = tpu.memref_squeeze %get3A_672 : memref<1x256x128xf32, #tpu.memory_space<vmem>> -> memref<256x128xf32, #tpu.memory_space<vmem>>
      %get3A_674 = arith.index_cast %scan3A_582 : i32 to index
      %get3A_675 = arith.constant 96 : index
      %get3A_676 = tpu.vector_load %get3A_673[%get3A_674, %get3A_675] {strides = array<i32>} : memref<256x128xf32, #tpu.memory_space<vmem>>, vector<1x16xf32>,
      %get3A_677 = vector.shape_cast %get3A_676 : vector<1x16xf32> to vector<16xf32>
      %lt3A_678 = arith.cmpf olt, %get3A_677, %scan3A_595 : vector<16xf32>
      %select_n3A_679 = arith.select %lt3A_678, %get3A_677, %scan3A_595 : vector<16xi1>, vector<16xf32>
      %broadcast_in_dim3A_680 = vector.broadcast %convert_element_type3A : f32 to vector<16xf32>
      %select_n3A_681 = arith.select %lt3A_678, %broadcast_in_dim3A_680, %scan3A_596 : vector<16xi1>, vector<16xf32>
      %get3A_682 = arith.constant 0 : i32
      %get3A_683 = arith.constant 0 : i32
      %get3A_684 = tpu.memref_slice %arg4[%scan3A_228, %get3A_682, %get3A_683] : memref<2x256x128xf32, #tpu.memory_space<vmem>> -> memref<1x256x128xf32, #tpu.memory_space<vmem>>
      %get3A_685 = tpu.memref_squeeze %get3A_684 : memref<1x256x128xf32, #tpu.memory_space<vmem>> -> memref<256x128xf32, #tpu.memory_space<vmem>>
      %get3A_686 = arith.index_cast %scan3A_582 : i32 to index
      %get3A_687 = arith.constant 112 : index
      %get3A_688 = tpu.vector_load %get3A_685[%get3A_686, %get3A_687] {strides = array<i32>} : memref<256x128xf32, #tpu.memory_space<vmem>>, vector<1x16xf32>,
      %get3A_689 = vector.shape_cast %get3A_688 : vector<1x16xf32> to vector<16xf32>
      %lt3A_690 = arith.cmpf olt, %get3A_689, %scan3A_597 : vector<16xf32>
      %select_n3A_691 = arith.select %lt3A_690, %get3A_689, %scan3A_597 : vector<16xi1>, vector<16xf32>
      %broadcast_in_dim3A_692 = vector.broadcast %convert_element_type3A : f32 to vector<16xf32>
      %select_n3A_693 = arith.select %lt3A_690, %broadcast_in_dim3A_692, %scan3A_598 : vector<16xi1>, vector<16xf32>
      scf.yield %select_n3A, %select_n3A_609, %select_n3A_619, %select_n3A_621, %select_n3A_631, %select_n3A_633, %select_n3A_643, %select_n3A_645, %select_n3A_655, %select_n3A_657, %select_n3A_667, %select_n3A_669, %select_n3A_679, %select_n3A_681, %select_n3A_691, %select_n3A_693 : vector<16xf32>, vector<16xf32>, vector<16xf32>, vector<16xf32>, vector<16xf32>, vector<16xf32>, vector<16xf32>, vector<16xf32>, vector<16xf32>, vector<16xf32>, vector<16xf32>, vector<16xf32>, vector<16xf32>, vector<16xf32>, vector<16xf32>, vector<16xf32>
    }
    %scan3A_234 = arith.constant 256 : i32
    %add3A_235 = arith.constant 256 : i32
    %add3A_236 = arith.addi %mul3A_2, %add3A_235 : i32
    %dma_start3A_237 = arith.constant 0 : i32
    %dma_start3A_238 = arith.constant 0 : i32
    %dma_start3A_239 = arith.constant 0 : i32
    %dma_start3A_240 = arith.constant 0 : i32
    %dma_start3A_241 = tpu.memref_slice %arg4[%dma_start3A_237, %dma_start3A_239, %dma_start3A_240] : memref<2x256x128xf32, #tpu.memory_space<vmem>> -> memref<1x256x128xf32, #tpu.memory_space<vmem>>
    %dma_start3A_242 = tpu.memref_squeeze %dma_start3A_241 : memref<1x256x128xf32, #tpu.memory_space<vmem>> -> memref<256x128xf32, #tpu.memory_space<vmem>>
    %dma_start3A_243 = arith.constant 0 : i32
    %dma_start3A_244 = tpu.memref_slice %arg2[%dma_start3A_243, %add3A_236] : memref<512x16384xf32, #tpu.memory_space<hbm>> -> memref<256x128xf32, #tpu.memory_space<hbm>>
    %dma_start3A_245 = tpu.memref_slice %arg6[%dma_start3A_238] : memref<2x!tpu.dma_semaphore, #tpu.memory_space<semaphore_mem>> -> memref<1x!tpu.dma_semaphore, #tpu.memory_space<semaphore_mem>>
    %dma_start3A_246 = tpu.memref_squeeze %dma_start3A_245 : memref<1x!tpu.dma_semaphore, #tpu.memory_space<semaphore_mem>> -> memref<!tpu.dma_semaphore, #tpu.memory_space<semaphore_mem>>
    %dma_start3A_247 = arith.constant 0 : i32
    %dma_start3A_248 = arith.constant 0 : i32
    %dma_start3A_249 = tpu.memref_slice %arg4[%dma_start3A_237, %dma_start3A_247, %dma_start3A_248] : memref<2x256x128xf32, #tpu.memory_space<vmem>> -> memref<1x256x128xf32, #tpu.memory_space<vmem>>
    %dma_start3A_250 = tpu.memref_squeeze %dma_start3A_249 : memref<1x256x128xf32, #tpu.memory_space<vmem>> -> memref<256x128xf32, #tpu.memory_space<vmem>>
    %dma_start3A_251 = arith.constant 0 : i32
    %dma_start3A_252 = tpu.memref_slice %arg2[%dma_start3A_251, %add3A_236] : memref<512x16384xf32, #tpu.memory_space<hbm>> -> memref<256x128xf32, #tpu.memory_space<hbm>>
    tpu.enqueue_dma source(%dma_start3A_252 : memref<256x128xf32, #tpu.memory_space<hbm>>) target(%dma_start3A_250 : memref<256x128xf32, #tpu.memory_space<vmem>>) target_semaphore(%dma_start3A_246 : memref<!tpu.dma_semaphore, #tpu.memory_space<semaphore_mem>>)
    %dma_wait3A_253 = arith.constant 1 : i32
    %dma_wait3A_254 = arith.constant 1 : i32
    %dma_wait3A_255 = arith.constant 0 : i32
    %dma_wait3A_256 = arith.constant 0 : i32
    %dma_wait3A_257 = tpu.memref_slice %arg4[%dma_wait3A_253, %dma_wait3A_255, %dma_wait3A_256] : memref<2x256x128xf32, #tpu.memory_space<vmem>> -> memref<1x256x128xf32, #tpu.memory_space<vmem>>
    %dma_wait3A_258 = tpu.memref_squeeze %dma_wait3A_257 : memref<1x256x128xf32, #tpu.memory_space<vmem>> -> memref<256x128xf32, #tpu.memory_space<vmem>>
    %dma_wait3A_259 = arith.constant 256 : i32
    %dma_wait3A_260 = tpu.memref_slice %arg2[%dma_wait3A_259, %add3A_163] : memref<512x16384xf32, #tpu.memory_space<hbm>> -> memref<256x128xf32, #tpu.memory_space<hbm>>
    %dma_wait3A_261 = tpu.memref_slice %arg6[%dma_wait3A_254] : memref<2x!tpu.dma_semaphore, #tpu.memory_space<semaphore_mem>> -> memref<1x!tpu.dma_semaphore, #tpu.memory_space<semaphore_mem>>
    %dma_wait3A_262 = tpu.memref_squeeze %dma_wait3A_261 : memref<1x!tpu.dma_semaphore, #tpu.memory_space<semaphore_mem>> -> memref<!tpu.dma_semaphore, #tpu.memory_space<semaphore_mem>>
    %dma_wait3A_263 = arith.constant 0 : i32
    %dma_wait3A_264 = arith.constant 0 : i32
    %dma_wait3A_265 = tpu.memref_slice %arg4[%dma_wait3A_253, %dma_wait3A_263, %dma_wait3A_264] : memref<2x256x128xf32, #tpu.memory_space<vmem>> -> memref<1x256x128xf32, #tpu.memory_space<vmem>>
    %dma_wait3A_266 = tpu.memref_squeeze %dma_wait3A_265 : memref<1x256x128xf32, #tpu.memory_space<vmem>> -> memref<256x128xf32, #tpu.memory_space<vmem>>
    %dma_wait3A_267 = arith.constant 256 : i32
    %dma_wait3A_268 = tpu.memref_slice %arg2[%dma_wait3A_267, %add3A_163] : memref<512x16384xf32, #tpu.memory_space<hbm>> -> memref<256x128xf32, #tpu.memory_space<hbm>>
    tpu.wait_dma2 semaphore(%dma_wait3A_262 : memref<!tpu.dma_semaphore, #tpu.memory_space<semaphore_mem>>) src(%dma_wait3A_268 : memref<256x128xf32, #tpu.memory_space<hbm>>) dst(%dma_wait3A_266 : memref<256x128xf32, #tpu.memory_space<vmem>>)
    %scan3A_269 = arith.constant 1 : i32
    %scan3A_270 = arith.constant 0 : i32
    %scan3A_271 = arith.constant 256 : i32
    %scan3A_272 = arith.addi %scan3A_270, %scan3A_271 : i32
    %scan3A_273 = arith.constant 1 : i32
    %scan3A_274:16 = scf.for %scan3A_582 = %scan3A_270 to %scan3A_272 step %scan3A_273 iter_args(%scan3A_583 = %scan3A_233#0, %scan3A_584 = %scan3A_233#1, %scan3A_585 = %scan3A_233#2, %scan3A_586 = %scan3A_233#3, %scan3A_587 = %scan3A_233#4, %scan3A_588 = %scan3A_233#5, %scan3A_589 = %scan3A_233#6, %scan3A_590 = %scan3A_233#7, %scan3A_591 = %scan3A_233#8, %scan3A_592 = %scan3A_233#9, %scan3A_593 = %scan3A_233#10, %scan3A_594 = %scan3A_233#11, %scan3A_595 = %scan3A_233#12, %scan3A_596 = %scan3A_233#13, %scan3A_597 = %scan3A_233#14, %scan3A_598 = %scan3A_233#15) -> (vector<16xf32>, vector<16xf32>, vector<16xf32>, vector<16xf32>, vector<16xf32>, vector<16xf32>, vector<16xf32>, vector<16xf32>, vector<16xf32>, vector<16xf32>, vector<16xf32>, vector<16xf32>, vector<16xf32>, vector<16xf32>, vector<16xf32>, vector<16xf32>)  : i32 {
      %add3A_599 = arith.constant 256 : i32
      %add3A_600 = arith.addi %scan3A_582, %add3A_599 : i32
      %convert_element_type3A = arith.sitofp %add3A_600 : i32 to f32
      %get3A = arith.constant 0 : i32
      %get3A_601 = arith.constant 0 : i32
      %get3A_602 = tpu.memref_slice %arg4[%scan3A_269, %get3A, %get3A_601] : memref<2x256x128xf32, #tpu.memory_space<vmem>> -> memref<1x256x128xf32, #tpu.memory_space<vmem>>
      %get3A_603 = tpu.memref_squeeze %get3A_602 : memref<1x256x128xf32, #tpu.memory_space<vmem>> -> memref<256x128xf32, #tpu.memory_space<vmem>>
      %get3A_604 = arith.index_cast %scan3A_582 : i32 to index
      %get3A_605 = arith.constant 0 : index
      %get3A_606 = tpu.vector_load %get3A_603[%get3A_604, %get3A_605] {strides = array<i32>} : memref<256x128xf32, #tpu.memory_space<vmem>>, vector<1x16xf32>,
      %get3A_607 = vector.shape_cast %get3A_606 : vector<1x16xf32> to vector<16xf32>
      %lt3A = arith.cmpf olt, %get3A_607, %scan3A_583 : vector<16xf32>
      %select_n3A = arith.select %lt3A, %get3A_607, %scan3A_583 : vector<16xi1>, vector<16xf32>
      %broadcast_in_dim3A_608 = vector.broadcast %convert_element_type3A : f32 to vector<16xf32>
      %select_n3A_609 = arith.select %lt3A, %broadcast_in_dim3A_608, %scan3A_584 : vector<16xi1>, vector<16xf32>
      %get3A_610 = arith.constant 0 : i32
      %get3A_611 = arith.constant 0 : i32
      %get3A_612 = tpu.memref_slice %arg4[%scan3A_269, %get3A_610, %get3A_611] : memref<2x256x128xf32, #tpu.memory_space<vmem>> -> memref<1x256x128xf32, #tpu.memory_space<vmem>>
      %get3A_613 = tpu.memref_squeeze %get3A_612 : memref<1x256x128xf32, #tpu.memory_space<vmem>> -> memref<256x128xf32, #tpu.memory_space<vmem>>
      %get3A_614 = arith.index_cast %scan3A_582 : i32 to index
      %get3A_615 = arith.constant 16 : index
      %get3A_616 = tpu.vector_load %get3A_613[%get3A_614, %get3A_615] {strides = array<i32>} : memref<256x128xf32, #tpu.memory_space<vmem>>, vector<1x16xf32>,
      %get3A_617 = vector.shape_cast %get3A_616 : vector<1x16xf32> to vector<16xf32>
      %lt3A_618 = arith.cmpf olt, %get3A_617, %scan3A_585 : vector<16xf32>
      %select_n3A_619 = arith.select %lt3A_618, %get3A_617, %scan3A_585 : vector<16xi1>, vector<16xf32>
      %broadcast_in_dim3A_620 = vector.broadcast %convert_element_type3A : f32 to vector<16xf32>
      %select_n3A_621 = arith.select %lt3A_618, %broadcast_in_dim3A_620, %scan3A_586 : vector<16xi1>, vector<16xf32>
      %get3A_622 = arith.constant 0 : i32
      %get3A_623 = arith.constant 0 : i32
      %get3A_624 = tpu.memref_slice %arg4[%scan3A_269, %get3A_622, %get3A_623] : memref<2x256x128xf32, #tpu.memory_space<vmem>> -> memref<1x256x128xf32, #tpu.memory_space<vmem>>
      %get3A_625 = tpu.memref_squeeze %get3A_624 : memref<1x256x128xf32, #tpu.memory_space<vmem>> -> memref<256x128xf32, #tpu.memory_space<vmem>>
      %get3A_626 = arith.index_cast %scan3A_582 : i32 to index
      %get3A_627 = arith.constant 32 : index
      %get3A_628 = tpu.vector_load %get3A_625[%get3A_626, %get3A_627] {strides = array<i32>} : memref<256x128xf32, #tpu.memory_space<vmem>>, vector<1x16xf32>,
      %get3A_629 = vector.shape_cast %get3A_628 : vector<1x16xf32> to vector<16xf32>
      %lt3A_630 = arith.cmpf olt, %get3A_629, %scan3A_587 : vector<16xf32>
      %select_n3A_631 = arith.select %lt3A_630, %get3A_629, %scan3A_587 : vector<16xi1>, vector<16xf32>
      %broadcast_in_dim3A_632 = vector.broadcast %convert_element_type3A : f32 to vector<16xf32>
      %select_n3A_633 = arith.select %lt3A_630, %broadcast_in_dim3A_632, %scan3A_588 : vector<16xi1>, vector<16xf32>
      %get3A_634 = arith.constant 0 : i32
      %get3A_635 = arith.constant 0 : i32
      %get3A_636 = tpu.memref_slice %arg4[%scan3A_269, %get3A_634, %get3A_635] : memref<2x256x128xf32, #tpu.memory_space<vmem>> -> memref<1x256x128xf32, #tpu.memory_space<vmem>>
      %get3A_637 = tpu.memref_squeeze %get3A_636 : memref<1x256x128xf32, #tpu.memory_space<vmem>> -> memref<256x128xf32, #tpu.memory_space<vmem>>
      %get3A_638 = arith.index_cast %scan3A_582 : i32 to index
      %get3A_639 = arith.constant 48 : index
      %get3A_640 = tpu.vector_load %get3A_637[%get3A_638, %get3A_639] {strides = array<i32>} : memref<256x128xf32, #tpu.memory_space<vmem>>, vector<1x16xf32>,
      %get3A_641 = vector.shape_cast %get3A_640 : vector<1x16xf32> to vector<16xf32>
      %lt3A_642 = arith.cmpf olt, %get3A_641, %scan3A_589 : vector<16xf32>
      %select_n3A_643 = arith.select %lt3A_642, %get3A_641, %scan3A_589 : vector<16xi1>, vector<16xf32>
      %broadcast_in_dim3A_644 = vector.broadcast %convert_element_type3A : f32 to vector<16xf32>
      %select_n3A_645 = arith.select %lt3A_642, %broadcast_in_dim3A_644, %scan3A_590 : vector<16xi1>, vector<16xf32>
      %get3A_646 = arith.constant 0 : i32
      %get3A_647 = arith.constant 0 : i32
      %get3A_648 = tpu.memref_slice %arg4[%scan3A_269, %get3A_646, %get3A_647] : memref<2x256x128xf32, #tpu.memory_space<vmem>> -> memref<1x256x128xf32, #tpu.memory_space<vmem>>
      %get3A_649 = tpu.memref_squeeze %get3A_648 : memref<1x256x128xf32, #tpu.memory_space<vmem>> -> memref<256x128xf32, #tpu.memory_space<vmem>>
      %get3A_650 = arith.index_cast %scan3A_582 : i32 to index
      %get3A_651 = arith.constant 64 : index
      %get3A_652 = tpu.vector_load %get3A_649[%get3A_650, %get3A_651] {strides = array<i32>} : memref<256x128xf32, #tpu.memory_space<vmem>>, vector<1x16xf32>,
      %get3A_653 = vector.shape_cast %get3A_652 : vector<1x16xf32> to vector<16xf32>
      %lt3A_654 = arith.cmpf olt, %get3A_653, %scan3A_591 : vector<16xf32>
      %select_n3A_655 = arith.select %lt3A_654, %get3A_653, %scan3A_591 : vector<16xi1>, vector<16xf32>
      %broadcast_in_dim3A_656 = vector.broadcast %convert_element_type3A : f32 to vector<16xf32>
      %select_n3A_657 = arith.select %lt3A_654, %broadcast_in_dim3A_656, %scan3A_592 : vector<16xi1>, vector<16xf32>
      %get3A_658 = arith.constant 0 : i32
      %get3A_659 = arith.constant 0 : i32
      %get3A_660 = tpu.memref_slice %arg4[%scan3A_269, %get3A_658, %get3A_659] : memref<2x256x128xf32, #tpu.memory_space<vmem>> -> memref<1x256x128xf32, #tpu.memory_space<vmem>>
      %get3A_661 = tpu.memref_squeeze %get3A_660 : memref<1x256x128xf32, #tpu.memory_space<vmem>> -> memref<256x128xf32, #tpu.memory_space<vmem>>
      %get3A_662 = arith.index_cast %scan3A_582 : i32 to index
      %get3A_663 = arith.constant 80 : index
      %get3A_664 = tpu.vector_load %get3A_661[%get3A_662, %get3A_663] {strides = array<i32>} : memref<256x128xf32, #tpu.memory_space<vmem>>, vector<1x16xf32>,
      %get3A_665 = vector.shape_cast %get3A_664 : vector<1x16xf32> to vector<16xf32>
      %lt3A_666 = arith.cmpf olt, %get3A_665, %scan3A_593 : vector<16xf32>
      %select_n3A_667 = arith.select %lt3A_666, %get3A_665, %scan3A_593 : vector<16xi1>, vector<16xf32>
      %broadcast_in_dim3A_668 = vector.broadcast %convert_element_type3A : f32 to vector<16xf32>
      %select_n3A_669 = arith.select %lt3A_666, %broadcast_in_dim3A_668, %scan3A_594 : vector<16xi1>, vector<16xf32>
      %get3A_670 = arith.constant 0 : i32
      %get3A_671 = arith.constant 0 : i32
      %get3A_672 = tpu.memref_slice %arg4[%scan3A_269, %get3A_670, %get3A_671] : memref<2x256x128xf32, #tpu.memory_space<vmem>> -> memref<1x256x128xf32, #tpu.memory_space<vmem>>
      %get3A_673 = tpu.memref_squeeze %get3A_672 : memref<1x256x128xf32, #tpu.memory_space<vmem>> -> memref<256x128xf32, #tpu.memory_space<vmem>>
      %get3A_674 = arith.index_cast %scan3A_582 : i32 to index
      %get3A_675 = arith.constant 96 : index
      %get3A_676 = tpu.vector_load %get3A_673[%get3A_674, %get3A_675] {strides = array<i32>} : memref<256x128xf32, #tpu.memory_space<vmem>>, vector<1x16xf32>,
      %get3A_677 = vector.shape_cast %get3A_676 : vector<1x16xf32> to vector<16xf32>
      %lt3A_678 = arith.cmpf olt, %get3A_677, %scan3A_595 : vector<16xf32>
      %select_n3A_679 = arith.select %lt3A_678, %get3A_677, %scan3A_595 : vector<16xi1>, vector<16xf32>
      %broadcast_in_dim3A_680 = vector.broadcast %convert_element_type3A : f32 to vector<16xf32>
      %select_n3A_681 = arith.select %lt3A_678, %broadcast_in_dim3A_680, %scan3A_596 : vector<16xi1>, vector<16xf32>
      %get3A_682 = arith.constant 0 : i32
      %get3A_683 = arith.constant 0 : i32
      %get3A_684 = tpu.memref_slice %arg4[%scan3A_269, %get3A_682, %get3A_683] : memref<2x256x128xf32, #tpu.memory_space<vmem>> -> memref<1x256x128xf32, #tpu.memory_space<vmem>>
      %get3A_685 = tpu.memref_squeeze %get3A_684 : memref<1x256x128xf32, #tpu.memory_space<vmem>> -> memref<256x128xf32, #tpu.memory_space<vmem>>
      %get3A_686 = arith.index_cast %scan3A_582 : i32 to index
      %get3A_687 = arith.constant 112 : index
      %get3A_688 = tpu.vector_load %get3A_685[%get3A_686, %get3A_687] {strides = array<i32>} : memref<256x128xf32, #tpu.memory_space<vmem>>, vector<1x16xf32>,
      %get3A_689 = vector.shape_cast %get3A_688 : vector<1x16xf32> to vector<16xf32>
      %lt3A_690 = arith.cmpf olt, %get3A_689, %scan3A_597 : vector<16xf32>
      %select_n3A_691 = arith.select %lt3A_690, %get3A_689, %scan3A_597 : vector<16xi1>, vector<16xf32>
      %broadcast_in_dim3A_692 = vector.broadcast %convert_element_type3A : f32 to vector<16xf32>
      %select_n3A_693 = arith.select %lt3A_690, %broadcast_in_dim3A_692, %scan3A_598 : vector<16xi1>, vector<16xf32>
      scf.yield %select_n3A, %select_n3A_609, %select_n3A_619, %select_n3A_621, %select_n3A_631, %select_n3A_633, %select_n3A_643, %select_n3A_645, %select_n3A_655, %select_n3A_657, %select_n3A_667, %select_n3A_669, %select_n3A_679, %select_n3A_681, %select_n3A_691, %select_n3A_693 : vector<16xf32>, vector<16xf32>, vector<16xf32>, vector<16xf32>, vector<16xf32>, vector<16xf32>, vector<16xf32>, vector<16xf32>, vector<16xf32>, vector<16xf32>, vector<16xf32>, vector<16xf32>, vector<16xf32>, vector<16xf32>, vector<16xf32>, vector<16xf32>
    }
    %scan3A_275 = arith.constant 256 : i32
    %swap3A_276 = arith.constant 128 : index
    %swap3A_277 = tpu.vector_load %arg5[%swap3A_276] {strides = array<i32>} : memref<512xf32, #tpu.memory_space<vmem>>, vector<16xf32>,
    %swap3A_278 = vector.shape_cast %swap3A_277 : vector<16xf32> to vector<16xf32>
    %swap3A_279 = vector.shape_cast %scan3A_274#1 : vector<16xf32> to vector<16xf32>
    tpu.vector_store %arg5[%swap3A_276], %swap3A_279 {strides = array<i32>} : memref<512xf32, #tpu.memory_space<vmem>>, vector<16xf32>,
    %swap3A_280 = arith.constant 144 : index
    %swap3A_281 = tpu.vector_load %arg5[%swap3A_280] {strides = array<i32>} : memref<512xf32, #tpu.memory_space<vmem>>, vector<16xf32>,
    %swap3A_282 = vector.shape_cast %swap3A_281 : vector<16xf32> to vector<16xf32>
    %swap3A_283 = vector.shape_cast %scan3A_274#3 : vector<16xf32> to vector<16xf32>
    tpu.vector_store %arg5[%swap3A_280], %swap3A_283 {strides = array<i32>} : memref<512xf32, #tpu.memory_space<vmem>>, vector<16xf32>,
    %swap3A_284 = arith.constant 160 : index
    %swap3A_285 = tpu.vector_load %arg5[%swap3A_284] {strides = array<i32>} : memref<512xf32, #tpu.memory_space<vmem>>, vector<16xf32>,
    %swap3A_286 = vector.shape_cast %swap3A_285 : vector<16xf32> to vector<16xf32>
    %swap3A_287 = vector.shape_cast %scan3A_274#5 : vector<16xf32> to vector<16xf32>
    tpu.vector_store %arg5[%swap3A_284], %swap3A_287 {strides = array<i32>} : memref<512xf32, #tpu.memory_space<vmem>>, vector<16xf32>,
    %swap3A_288 = arith.constant 176 : index
    %swap3A_289 = tpu.vector_load %arg5[%swap3A_288] {strides = array<i32>} : memref<512xf32, #tpu.memory_space<vmem>>, vector<16xf32>,
    %swap3A_290 = vector.shape_cast %swap3A_289 : vector<16xf32> to vector<16xf32>
    %swap3A_291 = vector.shape_cast %scan3A_274#7 : vector<16xf32> to vector<16xf32>
    tpu.vector_store %arg5[%swap3A_288], %swap3A_291 {strides = array<i32>} : memref<512xf32, #tpu.memory_space<vmem>>, vector<16xf32>,
    %swap3A_292 = arith.constant 192 : index
    %swap3A_293 = tpu.vector_load %arg5[%swap3A_292] {strides = array<i32>} : memref<512xf32, #tpu.memory_space<vmem>>, vector<16xf32>,
    %swap3A_294 = vector.shape_cast %swap3A_293 : vector<16xf32> to vector<16xf32>
    %swap3A_295 = vector.shape_cast %scan3A_274#9 : vector<16xf32> to vector<16xf32>
    tpu.vector_store %arg5[%swap3A_292], %swap3A_295 {strides = array<i32>} : memref<512xf32, #tpu.memory_space<vmem>>, vector<16xf32>,
    %swap3A_296 = arith.constant 208 : index
    %swap3A_297 = tpu.vector_load %arg5[%swap3A_296] {strides = array<i32>} : memref<512xf32, #tpu.memory_space<vmem>>, vector<16xf32>,
    %swap3A_298 = vector.shape_cast %swap3A_297 : vector<16xf32> to vector<16xf32>
    %swap3A_299 = vector.shape_cast %scan3A_274#11 : vector<16xf32> to vector<16xf32>
    tpu.vector_store %arg5[%swap3A_296], %swap3A_299 {strides = array<i32>} : memref<512xf32, #tpu.memory_space<vmem>>, vector<16xf32>,
    %swap3A_300 = arith.constant 224 : index
    %swap3A_301 = tpu.vector_load %arg5[%swap3A_300] {strides = array<i32>} : memref<512xf32, #tpu.memory_space<vmem>>, vector<16xf32>,
    %swap3A_302 = vector.shape_cast %swap3A_301 : vector<16xf32> to vector<16xf32>
    %swap3A_303 = vector.shape_cast %scan3A_274#13 : vector<16xf32> to vector<16xf32>
    tpu.vector_store %arg5[%swap3A_300], %swap3A_303 {strides = array<i32>} : memref<512xf32, #tpu.memory_space<vmem>>, vector<16xf32>,
    %swap3A_304 = arith.constant 240 : index
    %swap3A_305 = tpu.vector_load %arg5[%swap3A_304] {strides = array<i32>} : memref<512xf32, #tpu.memory_space<vmem>>, vector<16xf32>,
    %swap3A_306 = vector.shape_cast %swap3A_305 : vector<16xf32> to vector<16xf32>
    %swap3A_307 = vector.shape_cast %scan3A_274#15 : vector<16xf32> to vector<16xf32>
    tpu.vector_store %arg5[%swap3A_304], %swap3A_307 {strides = array<i32>} : memref<512xf32, #tpu.memory_space<vmem>>, vector<16xf32>,
    %add3A_308 = arith.constant 256 : i32
    %add3A_309 = arith.addi %mul3A_2, %add3A_308 : i32
    %dma_start3A_310 = arith.constant 1 : i32
    %dma_start3A_311 = arith.constant 1 : i32
    %dma_start3A_312 = arith.constant 0 : i32
    %dma_start3A_313 = arith.constant 0 : i32
    %dma_start3A_314 = tpu.memref_slice %arg4[%dma_start3A_310, %dma_start3A_312, %dma_start3A_313] : memref<2x256x128xf32, #tpu.memory_space<vmem>> -> memref<1x256x128xf32, #tpu.memory_space<vmem>>
    %dma_start3A_315 = tpu.memref_squeeze %dma_start3A_314 : memref<1x256x128xf32, #tpu.memory_space<vmem>> -> memref<256x128xf32, #tpu.memory_space<vmem>>
    %dma_start3A_316 = arith.constant 256 : i32
    %dma_start3A_317 = tpu.memref_slice %arg2[%dma_start3A_316, %add3A_309] : memref<512x16384xf32, #tpu.memory_space<hbm>> -> memref<256x128xf32, #tpu.memory_space<hbm>>
    %dma_start3A_318 = tpu.memref_slice %arg6[%dma_start3A_311] : memref<2x!tpu.dma_semaphore, #tpu.memory_space<semaphore_mem>> -> memref<1x!tpu.dma_semaphore, #tpu.memory_space<semaphore_mem>>
    %dma_start3A_319 = tpu.memref_squeeze %dma_start3A_318 : memref<1x!tpu.dma_semaphore, #tpu.memory_space<semaphore_mem>> -> memref<!tpu.dma_semaphore, #tpu.memory_space<semaphore_mem>>
    %dma_start3A_320 = arith.constant 0 : i32
    %dma_start3A_321 = arith.constant 0 : i32
    %dma_start3A_322 = tpu.memref_slice %arg4[%dma_start3A_310, %dma_start3A_320, %dma_start3A_321] : memref<2x256x128xf32, #tpu.memory_space<vmem>> -> memref<1x256x128xf32, #tpu.memory_space<vmem>>
    %dma_start3A_323 = tpu.memref_squeeze %dma_start3A_322 : memref<1x256x128xf32, #tpu.memory_space<vmem>> -> memref<256x128xf32, #tpu.memory_space<vmem>>
    %dma_start3A_324 = arith.constant 256 : i32
    %dma_start3A_325 = tpu.memref_slice %arg2[%dma_start3A_324, %add3A_309] : memref<512x16384xf32, #tpu.memory_space<hbm>> -> memref<256x128xf32, #tpu.memory_space<hbm>>
    tpu.enqueue_dma source(%dma_start3A_325 : memref<256x128xf32, #tpu.memory_space<hbm>>) target(%dma_start3A_323 : memref<256x128xf32, #tpu.memory_space<vmem>>) target_semaphore(%dma_start3A_319 : memref<!tpu.dma_semaphore, #tpu.memory_space<semaphore_mem>>)
    %dma_wait3A_326 = arith.constant 0 : i32
    %dma_wait3A_327 = arith.constant 0 : i32
    %dma_wait3A_328 = arith.constant 0 : i32
    %dma_wait3A_329 = arith.constant 0 : i32
    %dma_wait3A_330 = tpu.memref_slice %arg4[%dma_wait3A_326, %dma_wait3A_328, %dma_wait3A_329] : memref<2x256x128xf32, #tpu.memory_space<vmem>> -> memref<1x256x128xf32, #tpu.memory_space<vmem>>
    %dma_wait3A_331 = tpu.memref_squeeze %dma_wait3A_330 : memref<1x256x128xf32, #tpu.memory_space<vmem>> -> memref<256x128xf32, #tpu.memory_space<vmem>>
    %dma_wait3A_332 = arith.constant 0 : i32
    %dma_wait3A_333 = tpu.memref_slice %arg2[%dma_wait3A_332, %add3A_236] : memref<512x16384xf32, #tpu.memory_space<hbm>> -> memref<256x128xf32, #tpu.memory_space<hbm>>
    %dma_wait3A_334 = tpu.memref_slice %arg6[%dma_wait3A_327] : memref<2x!tpu.dma_semaphore, #tpu.memory_space<semaphore_mem>> -> memref<1x!tpu.dma_semaphore, #tpu.memory_space<semaphore_mem>>
    %dma_wait3A_335 = tpu.memref_squeeze %dma_wait3A_334 : memref<1x!tpu.dma_semaphore, #tpu.memory_space<semaphore_mem>> -> memref<!tpu.dma_semaphore, #tpu.memory_space<semaphore_mem>>
    %dma_wait3A_336 = arith.constant 0 : i32
    %dma_wait3A_337 = arith.constant 0 : i32
    %dma_wait3A_338 = tpu.memref_slice %arg4[%dma_wait3A_326, %dma_wait3A_336, %dma_wait3A_337] : memref<2x256x128xf32, #tpu.memory_space<vmem>> -> memref<1x256x128xf32, #tpu.memory_space<vmem>>
    %dma_wait3A_339 = tpu.memref_squeeze %dma_wait3A_338 : memref<1x256x128xf32, #tpu.memory_space<vmem>> -> memref<256x128xf32, #tpu.memory_space<vmem>>
    %dma_wait3A_340 = arith.constant 0 : i32
    %dma_wait3A_341 = tpu.memref_slice %arg2[%dma_wait3A_340, %add3A_236] : memref<512x16384xf32, #tpu.memory_space<hbm>> -> memref<256x128xf32, #tpu.memory_space<hbm>>
    tpu.wait_dma2 semaphore(%dma_wait3A_335 : memref<!tpu.dma_semaphore, #tpu.memory_space<semaphore_mem>>) src(%dma_wait3A_341 : memref<256x128xf32, #tpu.memory_space<hbm>>) dst(%dma_wait3A_339 : memref<256x128xf32, #tpu.memory_space<vmem>>)
    %broadcast_in_dim3A_342 = arith.constant 0x7F800000 : f32
    %broadcast_in_dim3A_343 = vector.broadcast %broadcast_in_dim3A_342 : f32 to vector<16xf32>
    %broadcast_in_dim3A_344 = arith.constant 0.000000e+00 : f32
    %broadcast_in_dim3A_345 = vector.broadcast %broadcast_in_dim3A_344 : f32 to vector<16xf32>
    %broadcast_in_dim3A_346 = arith.constant 0x7F800000 : f32
    %broadcast_in_dim3A_347 = vector.broadcast %broadcast_in_dim3A_346 : f32 to vector<16xf32>
    %broadcast_in_dim3A_348 = arith.constant 0.000000e+00 : f32
    %broadcast_in_dim3A_349 = vector.broadcast %broadcast_in_dim3A_348 : f32 to vector<16xf32>
    %broadcast_in_dim3A_350 = arith.constant 0x7F800000 : f32
    %broadcast_in_dim3A_351 = vector.broadcast %broadcast_in_dim3A_350 : f32 to vector<16xf32>
    %broadcast_in_dim3A_352 = arith.constant 0.000000e+00 : f32
    %broadcast_in_dim3A_353 = vector.broadcast %broadcast_in_dim3A_352 : f32 to vector<16xf32>
    %broadcast_in_dim3A_354 = arith.constant 0x7F800000 : f32
    %broadcast_in_dim3A_355 = vector.broadcast %broadcast_in_dim3A_354 : f32 to vector<16xf32>
    %broadcast_in_dim3A_356 = arith.constant 0.000000e+00 : f32
    %broadcast_in_dim3A_357 = vector.broadcast %broadcast_in_dim3A_356 : f32 to vector<16xf32>
    %broadcast_in_dim3A_358 = arith.constant 0x7F800000 : f32
    %broadcast_in_dim3A_359 = vector.broadcast %broadcast_in_dim3A_358 : f32 to vector<16xf32>
    %broadcast_in_dim3A_360 = arith.constant 0.000000e+00 : f32
    %broadcast_in_dim3A_361 = vector.broadcast %broadcast_in_dim3A_360 : f32 to vector<16xf32>
    %broadcast_in_dim3A_362 = arith.constant 0x7F800000 : f32
    %broadcast_in_dim3A_363 = vector.broadcast %broadcast_in_dim3A_362 : f32 to vector<16xf32>
    %broadcast_in_dim3A_364 = arith.constant 0.000000e+00 : f32
    %broadcast_in_dim3A_365 = vector.broadcast %broadcast_in_dim3A_364 : f32 to vector<16xf32>
    %broadcast_in_dim3A_366 = arith.constant 0x7F800000 : f32
    %broadcast_in_dim3A_367 = vector.broadcast %broadcast_in_dim3A_366 : f32 to vector<16xf32>
    %broadcast_in_dim3A_368 = arith.constant 0.000000e+00 : f32
    %broadcast_in_dim3A_369 = vector.broadcast %broadcast_in_dim3A_368 : f32 to vector<16xf32>
    %broadcast_in_dim3A_370 = arith.constant 0x7F800000 : f32
    %broadcast_in_dim3A_371 = vector.broadcast %broadcast_in_dim3A_370 : f32 to vector<16xf32>
    %broadcast_in_dim3A_372 = arith.constant 0.000000e+00 : f32
    %broadcast_in_dim3A_373 = vector.broadcast %broadcast_in_dim3A_372 : f32 to vector<16xf32>
    %scan3A_374 = arith.constant 0 : i32
    %scan3A_375 = arith.constant 0 : i32
    %scan3A_376 = arith.constant 256 : i32
    %scan3A_377 = arith.addi %scan3A_375, %scan3A_376 : i32
    %scan3A_378 = arith.constant 1 : i32
    %scan3A_379:16 = scf.for %scan3A_582 = %scan3A_375 to %scan3A_377 step %scan3A_378 iter_args(%scan3A_583 = %broadcast_in_dim3A_343, %scan3A_584 = %broadcast_in_dim3A_345, %scan3A_585 = %broadcast_in_dim3A_347, %scan3A_586 = %broadcast_in_dim3A_349, %scan3A_587 = %broadcast_in_dim3A_351, %scan3A_588 = %broadcast_in_dim3A_353, %scan3A_589 = %broadcast_in_dim3A_355, %scan3A_590 = %broadcast_in_dim3A_357, %scan3A_591 = %broadcast_in_dim3A_359, %scan3A_592 = %broadcast_in_dim3A_361, %scan3A_593 = %broadcast_in_dim3A_363, %scan3A_594 = %broadcast_in_dim3A_365, %scan3A_595 = %broadcast_in_dim3A_367, %scan3A_596 = %broadcast_in_dim3A_369, %scan3A_597 = %broadcast_in_dim3A_371, %scan3A_598 = %broadcast_in_dim3A_373) -> (vector<16xf32>, vector<16xf32>, vector<16xf32>, vector<16xf32>, vector<16xf32>, vector<16xf32>, vector<16xf32>, vector<16xf32>, vector<16xf32>, vector<16xf32>, vector<16xf32>, vector<16xf32>, vector<16xf32>, vector<16xf32>, vector<16xf32>, vector<16xf32>)  : i32 {
      %add3A_599 = arith.constant 0 : i32
      %add3A_600 = arith.addi %scan3A_582, %add3A_599 : i32
      %convert_element_type3A = arith.sitofp %add3A_600 : i32 to f32
      %get3A = arith.constant 0 : i32
      %get3A_601 = arith.constant 0 : i32
      %get3A_602 = tpu.memref_slice %arg4[%scan3A_374, %get3A, %get3A_601] : memref<2x256x128xf32, #tpu.memory_space<vmem>> -> memref<1x256x128xf32, #tpu.memory_space<vmem>>
      %get3A_603 = tpu.memref_squeeze %get3A_602 : memref<1x256x128xf32, #tpu.memory_space<vmem>> -> memref<256x128xf32, #tpu.memory_space<vmem>>
      %get3A_604 = arith.index_cast %scan3A_582 : i32 to index
      %get3A_605 = arith.constant 0 : index
      %get3A_606 = tpu.vector_load %get3A_603[%get3A_604, %get3A_605] {strides = array<i32>} : memref<256x128xf32, #tpu.memory_space<vmem>>, vector<1x16xf32>,
      %get3A_607 = vector.shape_cast %get3A_606 : vector<1x16xf32> to vector<16xf32>
      %lt3A = arith.cmpf olt, %get3A_607, %scan3A_583 : vector<16xf32>
      %select_n3A = arith.select %lt3A, %get3A_607, %scan3A_583 : vector<16xi1>, vector<16xf32>
      %broadcast_in_dim3A_608 = vector.broadcast %convert_element_type3A : f32 to vector<16xf32>
      %select_n3A_609 = arith.select %lt3A, %broadcast_in_dim3A_608, %scan3A_584 : vector<16xi1>, vector<16xf32>
      %get3A_610 = arith.constant 0 : i32
      %get3A_611 = arith.constant 0 : i32
      %get3A_612 = tpu.memref_slice %arg4[%scan3A_374, %get3A_610, %get3A_611] : memref<2x256x128xf32, #tpu.memory_space<vmem>> -> memref<1x256x128xf32, #tpu.memory_space<vmem>>
      %get3A_613 = tpu.memref_squeeze %get3A_612 : memref<1x256x128xf32, #tpu.memory_space<vmem>> -> memref<256x128xf32, #tpu.memory_space<vmem>>
      %get3A_614 = arith.index_cast %scan3A_582 : i32 to index
      %get3A_615 = arith.constant 16 : index
      %get3A_616 = tpu.vector_load %get3A_613[%get3A_614, %get3A_615] {strides = array<i32>} : memref<256x128xf32, #tpu.memory_space<vmem>>, vector<1x16xf32>,
      %get3A_617 = vector.shape_cast %get3A_616 : vector<1x16xf32> to vector<16xf32>
      %lt3A_618 = arith.cmpf olt, %get3A_617, %scan3A_585 : vector<16xf32>
      %select_n3A_619 = arith.select %lt3A_618, %get3A_617, %scan3A_585 : vector<16xi1>, vector<16xf32>
      %broadcast_in_dim3A_620 = vector.broadcast %convert_element_type3A : f32 to vector<16xf32>
      %select_n3A_621 = arith.select %lt3A_618, %broadcast_in_dim3A_620, %scan3A_586 : vector<16xi1>, vector<16xf32>
      %get3A_622 = arith.constant 0 : i32
      %get3A_623 = arith.constant 0 : i32
      %get3A_624 = tpu.memref_slice %arg4[%scan3A_374, %get3A_622, %get3A_623] : memref<2x256x128xf32, #tpu.memory_space<vmem>> -> memref<1x256x128xf32, #tpu.memory_space<vmem>>
      %get3A_625 = tpu.memref_squeeze %get3A_624 : memref<1x256x128xf32, #tpu.memory_space<vmem>> -> memref<256x128xf32, #tpu.memory_space<vmem>>
      %get3A_626 = arith.index_cast %scan3A_582 : i32 to index
      %get3A_627 = arith.constant 32 : index
      %get3A_628 = tpu.vector_load %get3A_625[%get3A_626, %get3A_627] {strides = array<i32>} : memref<256x128xf32, #tpu.memory_space<vmem>>, vector<1x16xf32>,
      %get3A_629 = vector.shape_cast %get3A_628 : vector<1x16xf32> to vector<16xf32>
      %lt3A_630 = arith.cmpf olt, %get3A_629, %scan3A_587 : vector<16xf32>
      %select_n3A_631 = arith.select %lt3A_630, %get3A_629, %scan3A_587 : vector<16xi1>, vector<16xf32>
      %broadcast_in_dim3A_632 = vector.broadcast %convert_element_type3A : f32 to vector<16xf32>
      %select_n3A_633 = arith.select %lt3A_630, %broadcast_in_dim3A_632, %scan3A_588 : vector<16xi1>, vector<16xf32>
      %get3A_634 = arith.constant 0 : i32
      %get3A_635 = arith.constant 0 : i32
      %get3A_636 = tpu.memref_slice %arg4[%scan3A_374, %get3A_634, %get3A_635] : memref<2x256x128xf32, #tpu.memory_space<vmem>> -> memref<1x256x128xf32, #tpu.memory_space<vmem>>
      %get3A_637 = tpu.memref_squeeze %get3A_636 : memref<1x256x128xf32, #tpu.memory_space<vmem>> -> memref<256x128xf32, #tpu.memory_space<vmem>>
      %get3A_638 = arith.index_cast %scan3A_582 : i32 to index
      %get3A_639 = arith.constant 48 : index
      %get3A_640 = tpu.vector_load %get3A_637[%get3A_638, %get3A_639] {strides = array<i32>} : memref<256x128xf32, #tpu.memory_space<vmem>>, vector<1x16xf32>,
      %get3A_641 = vector.shape_cast %get3A_640 : vector<1x16xf32> to vector<16xf32>
      %lt3A_642 = arith.cmpf olt, %get3A_641, %scan3A_589 : vector<16xf32>
      %select_n3A_643 = arith.select %lt3A_642, %get3A_641, %scan3A_589 : vector<16xi1>, vector<16xf32>
      %broadcast_in_dim3A_644 = vector.broadcast %convert_element_type3A : f32 to vector<16xf32>
      %select_n3A_645 = arith.select %lt3A_642, %broadcast_in_dim3A_644, %scan3A_590 : vector<16xi1>, vector<16xf32>
      %get3A_646 = arith.constant 0 : i32
      %get3A_647 = arith.constant 0 : i32
      %get3A_648 = tpu.memref_slice %arg4[%scan3A_374, %get3A_646, %get3A_647] : memref<2x256x128xf32, #tpu.memory_space<vmem>> -> memref<1x256x128xf32, #tpu.memory_space<vmem>>
      %get3A_649 = tpu.memref_squeeze %get3A_648 : memref<1x256x128xf32, #tpu.memory_space<vmem>> -> memref<256x128xf32, #tpu.memory_space<vmem>>
      %get3A_650 = arith.index_cast %scan3A_582 : i32 to index
      %get3A_651 = arith.constant 64 : index
      %get3A_652 = tpu.vector_load %get3A_649[%get3A_650, %get3A_651] {strides = array<i32>} : memref<256x128xf32, #tpu.memory_space<vmem>>, vector<1x16xf32>,
      %get3A_653 = vector.shape_cast %get3A_652 : vector<1x16xf32> to vector<16xf32>
      %lt3A_654 = arith.cmpf olt, %get3A_653, %scan3A_591 : vector<16xf32>
      %select_n3A_655 = arith.select %lt3A_654, %get3A_653, %scan3A_591 : vector<16xi1>, vector<16xf32>
      %broadcast_in_dim3A_656 = vector.broadcast %convert_element_type3A : f32 to vector<16xf32>
      %select_n3A_657 = arith.select %lt3A_654, %broadcast_in_dim3A_656, %scan3A_592 : vector<16xi1>, vector<16xf32>
      %get3A_658 = arith.constant 0 : i32
      %get3A_659 = arith.constant 0 : i32
      %get3A_660 = tpu.memref_slice %arg4[%scan3A_374, %get3A_658, %get3A_659] : memref<2x256x128xf32, #tpu.memory_space<vmem>> -> memref<1x256x128xf32, #tpu.memory_space<vmem>>
      %get3A_661 = tpu.memref_squeeze %get3A_660 : memref<1x256x128xf32, #tpu.memory_space<vmem>> -> memref<256x128xf32, #tpu.memory_space<vmem>>
      %get3A_662 = arith.index_cast %scan3A_582 : i32 to index
      %get3A_663 = arith.constant 80 : index
      %get3A_664 = tpu.vector_load %get3A_661[%get3A_662, %get3A_663] {strides = array<i32>} : memref<256x128xf32, #tpu.memory_space<vmem>>, vector<1x16xf32>,
      %get3A_665 = vector.shape_cast %get3A_664 : vector<1x16xf32> to vector<16xf32>
      %lt3A_666 = arith.cmpf olt, %get3A_665, %scan3A_593 : vector<16xf32>
      %select_n3A_667 = arith.select %lt3A_666, %get3A_665, %scan3A_593 : vector<16xi1>, vector<16xf32>
      %broadcast_in_dim3A_668 = vector.broadcast %convert_element_type3A : f32 to vector<16xf32>
      %select_n3A_669 = arith.select %lt3A_666, %broadcast_in_dim3A_668, %scan3A_594 : vector<16xi1>, vector<16xf32>
      %get3A_670 = arith.constant 0 : i32
      %get3A_671 = arith.constant 0 : i32
      %get3A_672 = tpu.memref_slice %arg4[%scan3A_374, %get3A_670, %get3A_671] : memref<2x256x128xf32, #tpu.memory_space<vmem>> -> memref<1x256x128xf32, #tpu.memory_space<vmem>>
      %get3A_673 = tpu.memref_squeeze %get3A_672 : memref<1x256x128xf32, #tpu.memory_space<vmem>> -> memref<256x128xf32, #tpu.memory_space<vmem>>
      %get3A_674 = arith.index_cast %scan3A_582 : i32 to index
      %get3A_675 = arith.constant 96 : index
      %get3A_676 = tpu.vector_load %get3A_673[%get3A_674, %get3A_675] {strides = array<i32>} : memref<256x128xf32, #tpu.memory_space<vmem>>, vector<1x16xf32>,
      %get3A_677 = vector.shape_cast %get3A_676 : vector<1x16xf32> to vector<16xf32>
      %lt3A_678 = arith.cmpf olt, %get3A_677, %scan3A_595 : vector<16xf32>
      %select_n3A_679 = arith.select %lt3A_678, %get3A_677, %scan3A_595 : vector<16xi1>, vector<16xf32>
      %broadcast_in_dim3A_680 = vector.broadcast %convert_element_type3A : f32 to vector<16xf32>
      %select_n3A_681 = arith.select %lt3A_678, %broadcast_in_dim3A_680, %scan3A_596 : vector<16xi1>, vector<16xf32>
      %get3A_682 = arith.constant 0 : i32
      %get3A_683 = arith.constant 0 : i32
      %get3A_684 = tpu.memref_slice %arg4[%scan3A_374, %get3A_682, %get3A_683] : memref<2x256x128xf32, #tpu.memory_space<vmem>> -> memref<1x256x128xf32, #tpu.memory_space<vmem>>
      %get3A_685 = tpu.memref_squeeze %get3A_684 : memref<1x256x128xf32, #tpu.memory_space<vmem>> -> memref<256x128xf32, #tpu.memory_space<vmem>>
      %get3A_686 = arith.index_cast %scan3A_582 : i32 to index
      %get3A_687 = arith.constant 112 : index
      %get3A_688 = tpu.vector_load %get3A_685[%get3A_686, %get3A_687] {strides = array<i32>} : memref<256x128xf32, #tpu.memory_space<vmem>>, vector<1x16xf32>,
      %get3A_689 = vector.shape_cast %get3A_688 : vector<1x16xf32> to vector<16xf32>
      %lt3A_690 = arith.cmpf olt, %get3A_689, %scan3A_597 : vector<16xf32>
      %select_n3A_691 = arith.select %lt3A_690, %get3A_689, %scan3A_597 : vector<16xi1>, vector<16xf32>
      %broadcast_in_dim3A_692 = vector.broadcast %convert_element_type3A : f32 to vector<16xf32>
      %select_n3A_693 = arith.select %lt3A_690, %broadcast_in_dim3A_692, %scan3A_598 : vector<16xi1>, vector<16xf32>
      scf.yield %select_n3A, %select_n3A_609, %select_n3A_619, %select_n3A_621, %select_n3A_631, %select_n3A_633, %select_n3A_643, %select_n3A_645, %select_n3A_655, %select_n3A_657, %select_n3A_667, %select_n3A_669, %select_n3A_679, %select_n3A_681, %select_n3A_691, %select_n3A_693 : vector<16xf32>, vector<16xf32>, vector<16xf32>, vector<16xf32>, vector<16xf32>, vector<16xf32>, vector<16xf32>, vector<16xf32>, vector<16xf32>, vector<16xf32>, vector<16xf32>, vector<16xf32>, vector<16xf32>, vector<16xf32>, vector<16xf32>, vector<16xf32>
    }
    %scan3A_380 = arith.constant 256 : i32
    %add3A_381 = arith.constant 384 : i32
    %add3A_382 = arith.addi %mul3A_2, %add3A_381 : i32
    %dma_start3A_383 = arith.constant 0 : i32
    %dma_start3A_384 = arith.constant 0 : i32
    %dma_start3A_385 = arith.constant 0 : i32
    %dma_start3A_386 = arith.constant 0 : i32
    %dma_start3A_387 = tpu.memref_slice %arg4[%dma_start3A_383, %dma_start3A_385, %dma_start3A_386] : memref<2x256x128xf32, #tpu.memory_space<vmem>> -> memref<1x256x128xf32, #tpu.memory_space<vmem>>
    %dma_start3A_388 = tpu.memref_squeeze %dma_start3A_387 : memref<1x256x128xf32, #tpu.memory_space<vmem>> -> memref<256x128xf32, #tpu.memory_space<vmem>>
    %dma_start3A_389 = arith.constant 0 : i32
    %dma_start3A_390 = tpu.memref_slice %arg2[%dma_start3A_389, %add3A_382] : memref<512x16384xf32, #tpu.memory_space<hbm>> -> memref<256x128xf32, #tpu.memory_space<hbm>>
    %dma_start3A_391 = tpu.memref_slice %arg6[%dma_start3A_384] : memref<2x!tpu.dma_semaphore, #tpu.memory_space<semaphore_mem>> -> memref<1x!tpu.dma_semaphore, #tpu.memory_space<semaphore_mem>>
    %dma_start3A_392 = tpu.memref_squeeze %dma_start3A_391 : memref<1x!tpu.dma_semaphore, #tpu.memory_space<semaphore_mem>> -> memref<!tpu.dma_semaphore, #tpu.memory_space<semaphore_mem>>
    %dma_start3A_393 = arith.constant 0 : i32
    %dma_start3A_394 = arith.constant 0 : i32
    %dma_start3A_395 = tpu.memref_slice %arg4[%dma_start3A_383, %dma_start3A_393, %dma_start3A_394] : memref<2x256x128xf32, #tpu.memory_space<vmem>> -> memref<1x256x128xf32, #tpu.memory_space<vmem>>
    %dma_start3A_396 = tpu.memref_squeeze %dma_start3A_395 : memref<1x256x128xf32, #tpu.memory_space<vmem>> -> memref<256x128xf32, #tpu.memory_space<vmem>>
    %dma_start3A_397 = arith.constant 0 : i32
    %dma_start3A_398 = tpu.memref_slice %arg2[%dma_start3A_397, %add3A_382] : memref<512x16384xf32, #tpu.memory_space<hbm>> -> memref<256x128xf32, #tpu.memory_space<hbm>>
    tpu.enqueue_dma source(%dma_start3A_398 : memref<256x128xf32, #tpu.memory_space<hbm>>) target(%dma_start3A_396 : memref<256x128xf32, #tpu.memory_space<vmem>>) target_semaphore(%dma_start3A_392 : memref<!tpu.dma_semaphore, #tpu.memory_space<semaphore_mem>>)
    %dma_wait3A_399 = arith.constant 1 : i32
    %dma_wait3A_400 = arith.constant 1 : i32
    %dma_wait3A_401 = arith.constant 0 : i32
    %dma_wait3A_402 = arith.constant 0 : i32
    %dma_wait3A_403 = tpu.memref_slice %arg4[%dma_wait3A_399, %dma_wait3A_401, %dma_wait3A_402] : memref<2x256x128xf32, #tpu.memory_space<vmem>> -> memref<1x256x128xf32, #tpu.memory_space<vmem>>
    %dma_wait3A_404 = tpu.memref_squeeze %dma_wait3A_403 : memref<1x256x128xf32, #tpu.memory_space<vmem>> -> memref<256x128xf32, #tpu.memory_space<vmem>>
    %dma_wait3A_405 = arith.constant 256 : i32
    %dma_wait3A_406 = tpu.memref_slice %arg2[%dma_wait3A_405, %add3A_309] : memref<512x16384xf32, #tpu.memory_space<hbm>> -> memref<256x128xf32, #tpu.memory_space<hbm>>
    %dma_wait3A_407 = tpu.memref_slice %arg6[%dma_wait3A_400] : memref<2x!tpu.dma_semaphore, #tpu.memory_space<semaphore_mem>> -> memref<1x!tpu.dma_semaphore, #tpu.memory_space<semaphore_mem>>
    %dma_wait3A_408 = tpu.memref_squeeze %dma_wait3A_407 : memref<1x!tpu.dma_semaphore, #tpu.memory_space<semaphore_mem>> -> memref<!tpu.dma_semaphore, #tpu.memory_space<semaphore_mem>>
    %dma_wait3A_409 = arith.constant 0 : i32
    %dma_wait3A_410 = arith.constant 0 : i32
    %dma_wait3A_411 = tpu.memref_slice %arg4[%dma_wait3A_399, %dma_wait3A_409, %dma_wait3A_410] : memref<2x256x128xf32, #tpu.memory_space<vmem>> -> memref<1x256x128xf32, #tpu.memory_space<vmem>>
    %dma_wait3A_412 = tpu.memref_squeeze %dma_wait3A_411 : memref<1x256x128xf32, #tpu.memory_space<vmem>> -> memref<256x128xf32, #tpu.memory_space<vmem>>
    %dma_wait3A_413 = arith.constant 256 : i32
    %dma_wait3A_414 = tpu.memref_slice %arg2[%dma_wait3A_413, %add3A_309] : memref<512x16384xf32, #tpu.memory_space<hbm>> -> memref<256x128xf32, #tpu.memory_space<hbm>>
    tpu.wait_dma2 semaphore(%dma_wait3A_408 : memref<!tpu.dma_semaphore, #tpu.memory_space<semaphore_mem>>) src(%dma_wait3A_414 : memref<256x128xf32, #tpu.memory_space<hbm>>) dst(%dma_wait3A_412 : memref<256x128xf32, #tpu.memory_space<vmem>>)
    %scan3A_415 = arith.constant 1 : i32
    %scan3A_416 = arith.constant 0 : i32
    %scan3A_417 = arith.constant 256 : i32
    %scan3A_418 = arith.addi %scan3A_416, %scan3A_417 : i32
    %scan3A_419 = arith.constant 1 : i32
    %scan3A_420:16 = scf.for %scan3A_582 = %scan3A_416 to %scan3A_418 step %scan3A_419 iter_args(%scan3A_583 = %scan3A_379#0, %scan3A_584 = %scan3A_379#1, %scan3A_585 = %scan3A_379#2, %scan3A_586 = %scan3A_379#3, %scan3A_587 = %scan3A_379#4, %scan3A_588 = %scan3A_379#5, %scan3A_589 = %scan3A_379#6, %scan3A_590 = %scan3A_379#7, %scan3A_591 = %scan3A_379#8, %scan3A_592 = %scan3A_379#9, %scan3A_593 = %scan3A_379#10, %scan3A_594 = %scan3A_379#11, %scan3A_595 = %scan3A_379#12, %scan3A_596 = %scan3A_379#13, %scan3A_597 = %scan3A_379#14, %scan3A_598 = %scan3A_379#15) -> (vector<16xf32>, vector<16xf32>, vector<16xf32>, vector<16xf32>, vector<16xf32>, vector<16xf32>, vector<16xf32>, vector<16xf32>, vector<16xf32>, vector<16xf32>, vector<16xf32>, vector<16xf32>, vector<16xf32>, vector<16xf32>, vector<16xf32>, vector<16xf32>)  : i32 {
      %add3A_599 = arith.constant 256 : i32
      %add3A_600 = arith.addi %scan3A_582, %add3A_599 : i32
      %convert_element_type3A = arith.sitofp %add3A_600 : i32 to f32
      %get3A = arith.constant 0 : i32
      %get3A_601 = arith.constant 0 : i32
      %get3A_602 = tpu.memref_slice %arg4[%scan3A_415, %get3A, %get3A_601] : memref<2x256x128xf32, #tpu.memory_space<vmem>> -> memref<1x256x128xf32, #tpu.memory_space<vmem>>
      %get3A_603 = tpu.memref_squeeze %get3A_602 : memref<1x256x128xf32, #tpu.memory_space<vmem>> -> memref<256x128xf32, #tpu.memory_space<vmem>>
      %get3A_604 = arith.index_cast %scan3A_582 : i32 to index
      %get3A_605 = arith.constant 0 : index
      %get3A_606 = tpu.vector_load %get3A_603[%get3A_604, %get3A_605] {strides = array<i32>} : memref<256x128xf32, #tpu.memory_space<vmem>>, vector<1x16xf32>,
      %get3A_607 = vector.shape_cast %get3A_606 : vector<1x16xf32> to vector<16xf32>
      %lt3A = arith.cmpf olt, %get3A_607, %scan3A_583 : vector<16xf32>
      %select_n3A = arith.select %lt3A, %get3A_607, %scan3A_583 : vector<16xi1>, vector<16xf32>
      %broadcast_in_dim3A_608 = vector.broadcast %convert_element_type3A : f32 to vector<16xf32>
      %select_n3A_609 = arith.select %lt3A, %broadcast_in_dim3A_608, %scan3A_584 : vector<16xi1>, vector<16xf32>
      %get3A_610 = arith.constant 0 : i32
      %get3A_611 = arith.constant 0 : i32
      %get3A_612 = tpu.memref_slice %arg4[%scan3A_415, %get3A_610, %get3A_611] : memref<2x256x128xf32, #tpu.memory_space<vmem>> -> memref<1x256x128xf32, #tpu.memory_space<vmem>>
      %get3A_613 = tpu.memref_squeeze %get3A_612 : memref<1x256x128xf32, #tpu.memory_space<vmem>> -> memref<256x128xf32, #tpu.memory_space<vmem>>
      %get3A_614 = arith.index_cast %scan3A_582 : i32 to index
      %get3A_615 = arith.constant 16 : index
      %get3A_616 = tpu.vector_load %get3A_613[%get3A_614, %get3A_615] {strides = array<i32>} : memref<256x128xf32, #tpu.memory_space<vmem>>, vector<1x16xf32>,
      %get3A_617 = vector.shape_cast %get3A_616 : vector<1x16xf32> to vector<16xf32>
      %lt3A_618 = arith.cmpf olt, %get3A_617, %scan3A_585 : vector<16xf32>
      %select_n3A_619 = arith.select %lt3A_618, %get3A_617, %scan3A_585 : vector<16xi1>, vector<16xf32>
      %broadcast_in_dim3A_620 = vector.broadcast %convert_element_type3A : f32 to vector<16xf32>
      %select_n3A_621 = arith.select %lt3A_618, %broadcast_in_dim3A_620, %scan3A_586 : vector<16xi1>, vector<16xf32>
      %get3A_622 = arith.constant 0 : i32
      %get3A_623 = arith.constant 0 : i32
      %get3A_624 = tpu.memref_slice %arg4[%scan3A_415, %get3A_622, %get3A_623] : memref<2x256x128xf32, #tpu.memory_space<vmem>> -> memref<1x256x128xf32, #tpu.memory_space<vmem>>
      %get3A_625 = tpu.memref_squeeze %get3A_624 : memref<1x256x128xf32, #tpu.memory_space<vmem>> -> memref<256x128xf32, #tpu.memory_space<vmem>>
      %get3A_626 = arith.index_cast %scan3A_582 : i32 to index
      %get3A_627 = arith.constant 32 : index
      %get3A_628 = tpu.vector_load %get3A_625[%get3A_626, %get3A_627] {strides = array<i32>} : memref<256x128xf32, #tpu.memory_space<vmem>>, vector<1x16xf32>,
      %get3A_629 = vector.shape_cast %get3A_628 : vector<1x16xf32> to vector<16xf32>
      %lt3A_630 = arith.cmpf olt, %get3A_629, %scan3A_587 : vector<16xf32>
      %select_n3A_631 = arith.select %lt3A_630, %get3A_629, %scan3A_587 : vector<16xi1>, vector<16xf32>
      %broadcast_in_dim3A_632 = vector.broadcast %convert_element_type3A : f32 to vector<16xf32>
      %select_n3A_633 = arith.select %lt3A_630, %broadcast_in_dim3A_632, %scan3A_588 : vector<16xi1>, vector<16xf32>
      %get3A_634 = arith.constant 0 : i32
      %get3A_635 = arith.constant 0 : i32
      %get3A_636 = tpu.memref_slice %arg4[%scan3A_415, %get3A_634, %get3A_635] : memref<2x256x128xf32, #tpu.memory_space<vmem>> -> memref<1x256x128xf32, #tpu.memory_space<vmem>>
      %get3A_637 = tpu.memref_squeeze %get3A_636 : memref<1x256x128xf32, #tpu.memory_space<vmem>> -> memref<256x128xf32, #tpu.memory_space<vmem>>
      %get3A_638 = arith.index_cast %scan3A_582 : i32 to index
      %get3A_639 = arith.constant 48 : index
      %get3A_640 = tpu.vector_load %get3A_637[%get3A_638, %get3A_639] {strides = array<i32>} : memref<256x128xf32, #tpu.memory_space<vmem>>, vector<1x16xf32>,
      %get3A_641 = vector.shape_cast %get3A_640 : vector<1x16xf32> to vector<16xf32>
      %lt3A_642 = arith.cmpf olt, %get3A_641, %scan3A_589 : vector<16xf32>
      %select_n3A_643 = arith.select %lt3A_642, %get3A_641, %scan3A_589 : vector<16xi1>, vector<16xf32>
      %broadcast_in_dim3A_644 = vector.broadcast %convert_element_type3A : f32 to vector<16xf32>
      %select_n3A_645 = arith.select %lt3A_642, %broadcast_in_dim3A_644, %scan3A_590 : vector<16xi1>, vector<16xf32>
      %get3A_646 = arith.constant 0 : i32
      %get3A_647 = arith.constant 0 : i32
      %get3A_648 = tpu.memref_slice %arg4[%scan3A_415, %get3A_646, %get3A_647] : memref<2x256x128xf32, #tpu.memory_space<vmem>> -> memref<1x256x128xf32, #tpu.memory_space<vmem>>
      %get3A_649 = tpu.memref_squeeze %get3A_648 : memref<1x256x128xf32, #tpu.memory_space<vmem>> -> memref<256x128xf32, #tpu.memory_space<vmem>>
      %get3A_650 = arith.index_cast %scan3A_582 : i32 to index
      %get3A_651 = arith.constant 64 : index
      %get3A_652 = tpu.vector_load %get3A_649[%get3A_650, %get3A_651] {strides = array<i32>} : memref<256x128xf32, #tpu.memory_space<vmem>>, vector<1x16xf32>,
      %get3A_653 = vector.shape_cast %get3A_652 : vector<1x16xf32> to vector<16xf32>
      %lt3A_654 = arith.cmpf olt, %get3A_653, %scan3A_591 : vector<16xf32>
      %select_n3A_655 = arith.select %lt3A_654, %get3A_653, %scan3A_591 : vector<16xi1>, vector<16xf32>
      %broadcast_in_dim3A_656 = vector.broadcast %convert_element_type3A : f32 to vector<16xf32>
      %select_n3A_657 = arith.select %lt3A_654, %broadcast_in_dim3A_656, %scan3A_592 : vector<16xi1>, vector<16xf32>
      %get3A_658 = arith.constant 0 : i32
      %get3A_659 = arith.constant 0 : i32
      %get3A_660 = tpu.memref_slice %arg4[%scan3A_415, %get3A_658, %get3A_659] : memref<2x256x128xf32, #tpu.memory_space<vmem>> -> memref<1x256x128xf32, #tpu.memory_space<vmem>>
      %get3A_661 = tpu.memref_squeeze %get3A_660 : memref<1x256x128xf32, #tpu.memory_space<vmem>> -> memref<256x128xf32, #tpu.memory_space<vmem>>
      %get3A_662 = arith.index_cast %scan3A_582 : i32 to index
      %get3A_663 = arith.constant 80 : index
      %get3A_664 = tpu.vector_load %get3A_661[%get3A_662, %get3A_663] {strides = array<i32>} : memref<256x128xf32, #tpu.memory_space<vmem>>, vector<1x16xf32>,
      %get3A_665 = vector.shape_cast %get3A_664 : vector<1x16xf32> to vector<16xf32>
      %lt3A_666 = arith.cmpf olt, %get3A_665, %scan3A_593 : vector<16xf32>
      %select_n3A_667 = arith.select %lt3A_666, %get3A_665, %scan3A_593 : vector<16xi1>, vector<16xf32>
      %broadcast_in_dim3A_668 = vector.broadcast %convert_element_type3A : f32 to vector<16xf32>
      %select_n3A_669 = arith.select %lt3A_666, %broadcast_in_dim3A_668, %scan3A_594 : vector<16xi1>, vector<16xf32>
      %get3A_670 = arith.constant 0 : i32
      %get3A_671 = arith.constant 0 : i32
      %get3A_672 = tpu.memref_slice %arg4[%scan3A_415, %get3A_670, %get3A_671] : memref<2x256x128xf32, #tpu.memory_space<vmem>> -> memref<1x256x128xf32, #tpu.memory_space<vmem>>
      %get3A_673 = tpu.memref_squeeze %get3A_672 : memref<1x256x128xf32, #tpu.memory_space<vmem>> -> memref<256x128xf32, #tpu.memory_space<vmem>>
      %get3A_674 = arith.index_cast %scan3A_582 : i32 to index
      %get3A_675 = arith.constant 96 : index
      %get3A_676 = tpu.vector_load %get3A_673[%get3A_674, %get3A_675] {strides = array<i32>} : memref<256x128xf32, #tpu.memory_space<vmem>>, vector<1x16xf32>,
      %get3A_677 = vector.shape_cast %get3A_676 : vector<1x16xf32> to vector<16xf32>
      %lt3A_678 = arith.cmpf olt, %get3A_677, %scan3A_595 : vector<16xf32>
      %select_n3A_679 = arith.select %lt3A_678, %get3A_677, %scan3A_595 : vector<16xi1>, vector<16xf32>
      %broadcast_in_dim3A_680 = vector.broadcast %convert_element_type3A : f32 to vector<16xf32>
      %select_n3A_681 = arith.select %lt3A_678, %broadcast_in_dim3A_680, %scan3A_596 : vector<16xi1>, vector<16xf32>
      %get3A_682 = arith.constant 0 : i32
      %get3A_683 = arith.constant 0 : i32
      %get3A_684 = tpu.memref_slice %arg4[%scan3A_415, %get3A_682, %get3A_683] : memref<2x256x128xf32, #tpu.memory_space<vmem>> -> memref<1x256x128xf32, #tpu.memory_space<vmem>>
      %get3A_685 = tpu.memref_squeeze %get3A_684 : memref<1x256x128xf32, #tpu.memory_space<vmem>> -> memref<256x128xf32, #tpu.memory_space<vmem>>
      %get3A_686 = arith.index_cast %scan3A_582 : i32 to index
      %get3A_687 = arith.constant 112 : index
      %get3A_688 = tpu.vector_load %get3A_685[%get3A_686, %get3A_687] {strides = array<i32>} : memref<256x128xf32, #tpu.memory_space<vmem>>, vector<1x16xf32>,
      %get3A_689 = vector.shape_cast %get3A_688 : vector<1x16xf32> to vector<16xf32>
      %lt3A_690 = arith.cmpf olt, %get3A_689, %scan3A_597 : vector<16xf32>
      %select_n3A_691 = arith.select %lt3A_690, %get3A_689, %scan3A_597 : vector<16xi1>, vector<16xf32>
      %broadcast_in_dim3A_692 = vector.broadcast %convert_element_type3A : f32 to vector<16xf32>
      %select_n3A_693 = arith.select %lt3A_690, %broadcast_in_dim3A_692, %scan3A_598 : vector<16xi1>, vector<16xf32>
      scf.yield %select_n3A, %select_n3A_609, %select_n3A_619, %select_n3A_621, %select_n3A_631, %select_n3A_633, %select_n3A_643, %select_n3A_645, %select_n3A_655, %select_n3A_657, %select_n3A_667, %select_n3A_669, %select_n3A_679, %select_n3A_681, %select_n3A_691, %select_n3A_693 : vector<16xf32>, vector<16xf32>, vector<16xf32>, vector<16xf32>, vector<16xf32>, vector<16xf32>, vector<16xf32>, vector<16xf32>, vector<16xf32>, vector<16xf32>, vector<16xf32>, vector<16xf32>, vector<16xf32>, vector<16xf32>, vector<16xf32>, vector<16xf32>
    }
    %scan3A_421 = arith.constant 256 : i32
    %swap3A_422 = arith.constant 256 : index
    %swap3A_423 = tpu.vector_load %arg5[%swap3A_422] {strides = array<i32>} : memref<512xf32, #tpu.memory_space<vmem>>, vector<16xf32>,
    %swap3A_424 = vector.shape_cast %swap3A_423 : vector<16xf32> to vector<16xf32>
    %swap3A_425 = vector.shape_cast %scan3A_420#1 : vector<16xf32> to vector<16xf32>
    tpu.vector_store %arg5[%swap3A_422], %swap3A_425 {strides = array<i32>} : memref<512xf32, #tpu.memory_space<vmem>>, vector<16xf32>,
    %swap3A_426 = arith.constant 272 : index
    %swap3A_427 = tpu.vector_load %arg5[%swap3A_426] {strides = array<i32>} : memref<512xf32, #tpu.memory_space<vmem>>, vector<16xf32>,
    %swap3A_428 = vector.shape_cast %swap3A_427 : vector<16xf32> to vector<16xf32>
    %swap3A_429 = vector.shape_cast %scan3A_420#3 : vector<16xf32> to vector<16xf32>
    tpu.vector_store %arg5[%swap3A_426], %swap3A_429 {strides = array<i32>} : memref<512xf32, #tpu.memory_space<vmem>>, vector<16xf32>,
    %swap3A_430 = arith.constant 288 : index
    %swap3A_431 = tpu.vector_load %arg5[%swap3A_430] {strides = array<i32>} : memref<512xf32, #tpu.memory_space<vmem>>, vector<16xf32>,
    %swap3A_432 = vector.shape_cast %swap3A_431 : vector<16xf32> to vector<16xf32>
    %swap3A_433 = vector.shape_cast %scan3A_420#5 : vector<16xf32> to vector<16xf32>
    tpu.vector_store %arg5[%swap3A_430], %swap3A_433 {strides = array<i32>} : memref<512xf32, #tpu.memory_space<vmem>>, vector<16xf32>,
    %swap3A_434 = arith.constant 304 : index
    %swap3A_435 = tpu.vector_load %arg5[%swap3A_434] {strides = array<i32>} : memref<512xf32, #tpu.memory_space<vmem>>, vector<16xf32>,
    %swap3A_436 = vector.shape_cast %swap3A_435 : vector<16xf32> to vector<16xf32>
    %swap3A_437 = vector.shape_cast %scan3A_420#7 : vector<16xf32> to vector<16xf32>
    tpu.vector_store %arg5[%swap3A_434], %swap3A_437 {strides = array<i32>} : memref<512xf32, #tpu.memory_space<vmem>>, vector<16xf32>,
    %swap3A_438 = arith.constant 320 : index
    %swap3A_439 = tpu.vector_load %arg5[%swap3A_438] {strides = array<i32>} : memref<512xf32, #tpu.memory_space<vmem>>, vector<16xf32>,
    %swap3A_440 = vector.shape_cast %swap3A_439 : vector<16xf32> to vector<16xf32>
    %swap3A_441 = vector.shape_cast %scan3A_420#9 : vector<16xf32> to vector<16xf32>
    tpu.vector_store %arg5[%swap3A_438], %swap3A_441 {strides = array<i32>} : memref<512xf32, #tpu.memory_space<vmem>>, vector<16xf32>,
    %swap3A_442 = arith.constant 336 : index
    %swap3A_443 = tpu.vector_load %arg5[%swap3A_442] {strides = array<i32>} : memref<512xf32, #tpu.memory_space<vmem>>, vector<16xf32>,
    %swap3A_444 = vector.shape_cast %swap3A_443 : vector<16xf32> to vector<16xf32>
    %swap3A_445 = vector.shape_cast %scan3A_420#11 : vector<16xf32> to vector<16xf32>
    tpu.vector_store %arg5[%swap3A_442], %swap3A_445 {strides = array<i32>} : memref<512xf32, #tpu.memory_space<vmem>>, vector<16xf32>,
    %swap3A_446 = arith.constant 352 : index
    %swap3A_447 = tpu.vector_load %arg5[%swap3A_446] {strides = array<i32>} : memref<512xf32, #tpu.memory_space<vmem>>, vector<16xf32>,
    %swap3A_448 = vector.shape_cast %swap3A_447 : vector<16xf32> to vector<16xf32>
    %swap3A_449 = vector.shape_cast %scan3A_420#13 : vector<16xf32> to vector<16xf32>
    tpu.vector_store %arg5[%swap3A_446], %swap3A_449 {strides = array<i32>} : memref<512xf32, #tpu.memory_space<vmem>>, vector<16xf32>,
    %swap3A_450 = arith.constant 368 : index
    %swap3A_451 = tpu.vector_load %arg5[%swap3A_450] {strides = array<i32>} : memref<512xf32, #tpu.memory_space<vmem>>, vector<16xf32>,
    %swap3A_452 = vector.shape_cast %swap3A_451 : vector<16xf32> to vector<16xf32>
    %swap3A_453 = vector.shape_cast %scan3A_420#15 : vector<16xf32> to vector<16xf32>
    tpu.vector_store %arg5[%swap3A_450], %swap3A_453 {strides = array<i32>} : memref<512xf32, #tpu.memory_space<vmem>>, vector<16xf32>,
    %add3A_454 = arith.constant 384 : i32
    %add3A_455 = arith.addi %mul3A_2, %add3A_454 : i32
    %dma_start3A_456 = arith.constant 1 : i32
    %dma_start3A_457 = arith.constant 1 : i32
    %dma_start3A_458 = arith.constant 0 : i32
    %dma_start3A_459 = arith.constant 0 : i32
    %dma_start3A_460 = tpu.memref_slice %arg4[%dma_start3A_456, %dma_start3A_458, %dma_start3A_459] : memref<2x256x128xf32, #tpu.memory_space<vmem>> -> memref<1x256x128xf32, #tpu.memory_space<vmem>>
    %dma_start3A_461 = tpu.memref_squeeze %dma_start3A_460 : memref<1x256x128xf32, #tpu.memory_space<vmem>> -> memref<256x128xf32, #tpu.memory_space<vmem>>
    %dma_start3A_462 = arith.constant 256 : i32
    %dma_start3A_463 = tpu.memref_slice %arg2[%dma_start3A_462, %add3A_455] : memref<512x16384xf32, #tpu.memory_space<hbm>> -> memref<256x128xf32, #tpu.memory_space<hbm>>
    %dma_start3A_464 = tpu.memref_slice %arg6[%dma_start3A_457] : memref<2x!tpu.dma_semaphore, #tpu.memory_space<semaphore_mem>> -> memref<1x!tpu.dma_semaphore, #tpu.memory_space<semaphore_mem>>
    %dma_start3A_465 = tpu.memref_squeeze %dma_start3A_464 : memref<1x!tpu.dma_semaphore, #tpu.memory_space<semaphore_mem>> -> memref<!tpu.dma_semaphore, #tpu.memory_space<semaphore_mem>>
    %dma_start3A_466 = arith.constant 0 : i32
    %dma_start3A_467 = arith.constant 0 : i32
    %dma_start3A_468 = tpu.memref_slice %arg4[%dma_start3A_456, %dma_start3A_466, %dma_start3A_467] : memref<2x256x128xf32, #tpu.memory_space<vmem>> -> memref<1x256x128xf32, #tpu.memory_space<vmem>>
    %dma_start3A_469 = tpu.memref_squeeze %dma_start3A_468 : memref<1x256x128xf32, #tpu.memory_space<vmem>> -> memref<256x128xf32, #tpu.memory_space<vmem>>
    %dma_start3A_470 = arith.constant 256 : i32
    %dma_start3A_471 = tpu.memref_slice %arg2[%dma_start3A_470, %add3A_455] : memref<512x16384xf32, #tpu.memory_space<hbm>> -> memref<256x128xf32, #tpu.memory_space<hbm>>
    tpu.enqueue_dma source(%dma_start3A_471 : memref<256x128xf32, #tpu.memory_space<hbm>>) target(%dma_start3A_469 : memref<256x128xf32, #tpu.memory_space<vmem>>) target_semaphore(%dma_start3A_465 : memref<!tpu.dma_semaphore, #tpu.memory_space<semaphore_mem>>)
    %dma_wait3A_472 = arith.constant 0 : i32
    %dma_wait3A_473 = arith.constant 0 : i32
    %dma_wait3A_474 = arith.constant 0 : i32
    %dma_wait3A_475 = arith.constant 0 : i32
    %dma_wait3A_476 = tpu.memref_slice %arg4[%dma_wait3A_472, %dma_wait3A_474, %dma_wait3A_475] : memref<2x256x128xf32, #tpu.memory_space<vmem>> -> memref<1x256x128xf32, #tpu.memory_space<vmem>>
    %dma_wait3A_477 = tpu.memref_squeeze %dma_wait3A_476 : memref<1x256x128xf32, #tpu.memory_space<vmem>> -> memref<256x128xf32, #tpu.memory_space<vmem>>
    %dma_wait3A_478 = arith.constant 0 : i32
    %dma_wait3A_479 = tpu.memref_slice %arg2[%dma_wait3A_478, %add3A_382] : memref<512x16384xf32, #tpu.memory_space<hbm>> -> memref<256x128xf32, #tpu.memory_space<hbm>>
    %dma_wait3A_480 = tpu.memref_slice %arg6[%dma_wait3A_473] : memref<2x!tpu.dma_semaphore, #tpu.memory_space<semaphore_mem>> -> memref<1x!tpu.dma_semaphore, #tpu.memory_space<semaphore_mem>>
    %dma_wait3A_481 = tpu.memref_squeeze %dma_wait3A_480 : memref<1x!tpu.dma_semaphore, #tpu.memory_space<semaphore_mem>> -> memref<!tpu.dma_semaphore, #tpu.memory_space<semaphore_mem>>
    %dma_wait3A_482 = arith.constant 0 : i32
    %dma_wait3A_483 = arith.constant 0 : i32
    %dma_wait3A_484 = tpu.memref_slice %arg4[%dma_wait3A_472, %dma_wait3A_482, %dma_wait3A_483] : memref<2x256x128xf32, #tpu.memory_space<vmem>> -> memref<1x256x128xf32, #tpu.memory_space<vmem>>
    %dma_wait3A_485 = tpu.memref_squeeze %dma_wait3A_484 : memref<1x256x128xf32, #tpu.memory_space<vmem>> -> memref<256x128xf32, #tpu.memory_space<vmem>>
    %dma_wait3A_486 = arith.constant 0 : i32
    %dma_wait3A_487 = tpu.memref_slice %arg2[%dma_wait3A_486, %add3A_382] : memref<512x16384xf32, #tpu.memory_space<hbm>> -> memref<256x128xf32, #tpu.memory_space<hbm>>
    tpu.wait_dma2 semaphore(%dma_wait3A_481 : memref<!tpu.dma_semaphore, #tpu.memory_space<semaphore_mem>>) src(%dma_wait3A_487 : memref<256x128xf32, #tpu.memory_space<hbm>>) dst(%dma_wait3A_485 : memref<256x128xf32, #tpu.memory_space<vmem>>)
    %broadcast_in_dim3A_488 = arith.constant 0x7F800000 : f32
    %broadcast_in_dim3A_489 = vector.broadcast %broadcast_in_dim3A_488 : f32 to vector<16xf32>
    %broadcast_in_dim3A_490 = arith.constant 0.000000e+00 : f32
    %broadcast_in_dim3A_491 = vector.broadcast %broadcast_in_dim3A_490 : f32 to vector<16xf32>
    %broadcast_in_dim3A_492 = arith.constant 0x7F800000 : f32
    %broadcast_in_dim3A_493 = vector.broadcast %broadcast_in_dim3A_492 : f32 to vector<16xf32>
    %broadcast_in_dim3A_494 = arith.constant 0.000000e+00 : f32
    %broadcast_in_dim3A_495 = vector.broadcast %broadcast_in_dim3A_494 : f32 to vector<16xf32>
    %broadcast_in_dim3A_496 = arith.constant 0x7F800000 : f32
    %broadcast_in_dim3A_497 = vector.broadcast %broadcast_in_dim3A_496 : f32 to vector<16xf32>
    %broadcast_in_dim3A_498 = arith.constant 0.000000e+00 : f32
    %broadcast_in_dim3A_499 = vector.broadcast %broadcast_in_dim3A_498 : f32 to vector<16xf32>
    %broadcast_in_dim3A_500 = arith.constant 0x7F800000 : f32
    %broadcast_in_dim3A_501 = vector.broadcast %broadcast_in_dim3A_500 : f32 to vector<16xf32>
    %broadcast_in_dim3A_502 = arith.constant 0.000000e+00 : f32
    %broadcast_in_dim3A_503 = vector.broadcast %broadcast_in_dim3A_502 : f32 to vector<16xf32>
    %broadcast_in_dim3A_504 = arith.constant 0x7F800000 : f32
    %broadcast_in_dim3A_505 = vector.broadcast %broadcast_in_dim3A_504 : f32 to vector<16xf32>
    %broadcast_in_dim3A_506 = arith.constant 0.000000e+00 : f32
    %broadcast_in_dim3A_507 = vector.broadcast %broadcast_in_dim3A_506 : f32 to vector<16xf32>
    %broadcast_in_dim3A_508 = arith.constant 0x7F800000 : f32
    %broadcast_in_dim3A_509 = vector.broadcast %broadcast_in_dim3A_508 : f32 to vector<16xf32>
    %broadcast_in_dim3A_510 = arith.constant 0.000000e+00 : f32
    %broadcast_in_dim3A_511 = vector.broadcast %broadcast_in_dim3A_510 : f32 to vector<16xf32>
    %broadcast_in_dim3A_512 = arith.constant 0x7F800000 : f32
    %broadcast_in_dim3A_513 = vector.broadcast %broadcast_in_dim3A_512 : f32 to vector<16xf32>
    %broadcast_in_dim3A_514 = arith.constant 0.000000e+00 : f32
    %broadcast_in_dim3A_515 = vector.broadcast %broadcast_in_dim3A_514 : f32 to vector<16xf32>
    %broadcast_in_dim3A_516 = arith.constant 0x7F800000 : f32
    %broadcast_in_dim3A_517 = vector.broadcast %broadcast_in_dim3A_516 : f32 to vector<16xf32>
    %broadcast_in_dim3A_518 = arith.constant 0.000000e+00 : f32
    %broadcast_in_dim3A_519 = vector.broadcast %broadcast_in_dim3A_518 : f32 to vector<16xf32>
    %scan3A_520 = arith.constant 0 : i32
    %scan3A_521 = arith.constant 0 : i32
    %scan3A_522 = arith.constant 256 : i32
    %scan3A_523 = arith.addi %scan3A_521, %scan3A_522 : i32
    %scan3A_524 = arith.constant 1 : i32
    %scan3A_525:16 = scf.for %scan3A_582 = %scan3A_521 to %scan3A_523 step %scan3A_524 iter_args(%scan3A_583 = %broadcast_in_dim3A_489, %scan3A_584 = %broadcast_in_dim3A_491, %scan3A_585 = %broadcast_in_dim3A_493, %scan3A_586 = %broadcast_in_dim3A_495, %scan3A_587 = %broadcast_in_dim3A_497, %scan3A_588 = %broadcast_in_dim3A_499, %scan3A_589 = %broadcast_in_dim3A_501, %scan3A_590 = %broadcast_in_dim3A_503, %scan3A_591 = %broadcast_in_dim3A_505, %scan3A_592 = %broadcast_in_dim3A_507, %scan3A_593 = %broadcast_in_dim3A_509, %scan3A_594 = %broadcast_in_dim3A_511, %scan3A_595 = %broadcast_in_dim3A_513, %scan3A_596 = %broadcast_in_dim3A_515, %scan3A_597 = %broadcast_in_dim3A_517, %scan3A_598 = %broadcast_in_dim3A_519) -> (vector<16xf32>, vector<16xf32>, vector<16xf32>, vector<16xf32>, vector<16xf32>, vector<16xf32>, vector<16xf32>, vector<16xf32>, vector<16xf32>, vector<16xf32>, vector<16xf32>, vector<16xf32>, vector<16xf32>, vector<16xf32>, vector<16xf32>, vector<16xf32>)  : i32 {
      %add3A_599 = arith.constant 0 : i32
      %add3A_600 = arith.addi %scan3A_582, %add3A_599 : i32
      %convert_element_type3A = arith.sitofp %add3A_600 : i32 to f32
      %get3A = arith.constant 0 : i32
      %get3A_601 = arith.constant 0 : i32
      %get3A_602 = tpu.memref_slice %arg4[%scan3A_520, %get3A, %get3A_601] : memref<2x256x128xf32, #tpu.memory_space<vmem>> -> memref<1x256x128xf32, #tpu.memory_space<vmem>>
      %get3A_603 = tpu.memref_squeeze %get3A_602 : memref<1x256x128xf32, #tpu.memory_space<vmem>> -> memref<256x128xf32, #tpu.memory_space<vmem>>
      %get3A_604 = arith.index_cast %scan3A_582 : i32 to index
      %get3A_605 = arith.constant 0 : index
      %get3A_606 = tpu.vector_load %get3A_603[%get3A_604, %get3A_605] {strides = array<i32>} : memref<256x128xf32, #tpu.memory_space<vmem>>, vector<1x16xf32>,
      %get3A_607 = vector.shape_cast %get3A_606 : vector<1x16xf32> to vector<16xf32>
      %lt3A = arith.cmpf olt, %get3A_607, %scan3A_583 : vector<16xf32>
      %select_n3A = arith.select %lt3A, %get3A_607, %scan3A_583 : vector<16xi1>, vector<16xf32>
      %broadcast_in_dim3A_608 = vector.broadcast %convert_element_type3A : f32 to vector<16xf32>
      %select_n3A_609 = arith.select %lt3A, %broadcast_in_dim3A_608, %scan3A_584 : vector<16xi1>, vector<16xf32>
      %get3A_610 = arith.constant 0 : i32
      %get3A_611 = arith.constant 0 : i32
      %get3A_612 = tpu.memref_slice %arg4[%scan3A_520, %get3A_610, %get3A_611] : memref<2x256x128xf32, #tpu.memory_space<vmem>> -> memref<1x256x128xf32, #tpu.memory_space<vmem>>
      %get3A_613 = tpu.memref_squeeze %get3A_612 : memref<1x256x128xf32, #tpu.memory_space<vmem>> -> memref<256x128xf32, #tpu.memory_space<vmem>>
      %get3A_614 = arith.index_cast %scan3A_582 : i32 to index
      %get3A_615 = arith.constant 16 : index
      %get3A_616 = tpu.vector_load %get3A_613[%get3A_614, %get3A_615] {strides = array<i32>} : memref<256x128xf32, #tpu.memory_space<vmem>>, vector<1x16xf32>,
      %get3A_617 = vector.shape_cast %get3A_616 : vector<1x16xf32> to vector<16xf32>
      %lt3A_618 = arith.cmpf olt, %get3A_617, %scan3A_585 : vector<16xf32>
      %select_n3A_619 = arith.select %lt3A_618, %get3A_617, %scan3A_585 : vector<16xi1>, vector<16xf32>
      %broadcast_in_dim3A_620 = vector.broadcast %convert_element_type3A : f32 to vector<16xf32>
      %select_n3A_621 = arith.select %lt3A_618, %broadcast_in_dim3A_620, %scan3A_586 : vector<16xi1>, vector<16xf32>
      %get3A_622 = arith.constant 0 : i32
      %get3A_623 = arith.constant 0 : i32
      %get3A_624 = tpu.memref_slice %arg4[%scan3A_520, %get3A_622, %get3A_623] : memref<2x256x128xf32, #tpu.memory_space<vmem>> -> memref<1x256x128xf32, #tpu.memory_space<vmem>>
      %get3A_625 = tpu.memref_squeeze %get3A_624 : memref<1x256x128xf32, #tpu.memory_space<vmem>> -> memref<256x128xf32, #tpu.memory_space<vmem>>
      %get3A_626 = arith.index_cast %scan3A_582 : i32 to index
      %get3A_627 = arith.constant 32 : index
      %get3A_628 = tpu.vector_load %get3A_625[%get3A_626, %get3A_627] {strides = array<i32>} : memref<256x128xf32, #tpu.memory_space<vmem>>, vector<1x16xf32>,
      %get3A_629 = vector.shape_cast %get3A_628 : vector<1x16xf32> to vector<16xf32>
      %lt3A_630 = arith.cmpf olt, %get3A_629, %scan3A_587 : vector<16xf32>
      %select_n3A_631 = arith.select %lt3A_630, %get3A_629, %scan3A_587 : vector<16xi1>, vector<16xf32>
      %broadcast_in_dim3A_632 = vector.broadcast %convert_element_type3A : f32 to vector<16xf32>
      %select_n3A_633 = arith.select %lt3A_630, %broadcast_in_dim3A_632, %scan3A_588 : vector<16xi1>, vector<16xf32>
      %get3A_634 = arith.constant 0 : i32
      %get3A_635 = arith.constant 0 : i32
      %get3A_636 = tpu.memref_slice %arg4[%scan3A_520, %get3A_634, %get3A_635] : memref<2x256x128xf32, #tpu.memory_space<vmem>> -> memref<1x256x128xf32, #tpu.memory_space<vmem>>
      %get3A_637 = tpu.memref_squeeze %get3A_636 : memref<1x256x128xf32, #tpu.memory_space<vmem>> -> memref<256x128xf32, #tpu.memory_space<vmem>>
      %get3A_638 = arith.index_cast %scan3A_582 : i32 to index
      %get3A_639 = arith.constant 48 : index
      %get3A_640 = tpu.vector_load %get3A_637[%get3A_638, %get3A_639] {strides = array<i32>} : memref<256x128xf32, #tpu.memory_space<vmem>>, vector<1x16xf32>,
      %get3A_641 = vector.shape_cast %get3A_640 : vector<1x16xf32> to vector<16xf32>
      %lt3A_642 = arith.cmpf olt, %get3A_641, %scan3A_589 : vector<16xf32>
      %select_n3A_643 = arith.select %lt3A_642, %get3A_641, %scan3A_589 : vector<16xi1>, vector<16xf32>
      %broadcast_in_dim3A_644 = vector.broadcast %convert_element_type3A : f32 to vector<16xf32>
      %select_n3A_645 = arith.select %lt3A_642, %broadcast_in_dim3A_644, %scan3A_590 : vector<16xi1>, vector<16xf32>
      %get3A_646 = arith.constant 0 : i32
      %get3A_647 = arith.constant 0 : i32
      %get3A_648 = tpu.memref_slice %arg4[%scan3A_520, %get3A_646, %get3A_647] : memref<2x256x128xf32, #tpu.memory_space<vmem>> -> memref<1x256x128xf32, #tpu.memory_space<vmem>>
      %get3A_649 = tpu.memref_squeeze %get3A_648 : memref<1x256x128xf32, #tpu.memory_space<vmem>> -> memref<256x128xf32, #tpu.memory_space<vmem>>
      %get3A_650 = arith.index_cast %scan3A_582 : i32 to index
      %get3A_651 = arith.constant 64 : index
      %get3A_652 = tpu.vector_load %get3A_649[%get3A_650, %get3A_651] {strides = array<i32>} : memref<256x128xf32, #tpu.memory_space<vmem>>, vector<1x16xf32>,
      %get3A_653 = vector.shape_cast %get3A_652 : vector<1x16xf32> to vector<16xf32>
      %lt3A_654 = arith.cmpf olt, %get3A_653, %scan3A_591 : vector<16xf32>
      %select_n3A_655 = arith.select %lt3A_654, %get3A_653, %scan3A_591 : vector<16xi1>, vector<16xf32>
      %broadcast_in_dim3A_656 = vector.broadcast %convert_element_type3A : f32 to vector<16xf32>
      %select_n3A_657 = arith.select %lt3A_654, %broadcast_in_dim3A_656, %scan3A_592 : vector<16xi1>, vector<16xf32>
      %get3A_658 = arith.constant 0 : i32
      %get3A_659 = arith.constant 0 : i32
      %get3A_660 = tpu.memref_slice %arg4[%scan3A_520, %get3A_658, %get3A_659] : memref<2x256x128xf32, #tpu.memory_space<vmem>> -> memref<1x256x128xf32, #tpu.memory_space<vmem>>
      %get3A_661 = tpu.memref_squeeze %get3A_660 : memref<1x256x128xf32, #tpu.memory_space<vmem>> -> memref<256x128xf32, #tpu.memory_space<vmem>>
      %get3A_662 = arith.index_cast %scan3A_582 : i32 to index
      %get3A_663 = arith.constant 80 : index
      %get3A_664 = tpu.vector_load %get3A_661[%get3A_662, %get3A_663] {strides = array<i32>} : memref<256x128xf32, #tpu.memory_space<vmem>>, vector<1x16xf32>,
      %get3A_665 = vector.shape_cast %get3A_664 : vector<1x16xf32> to vector<16xf32>
      %lt3A_666 = arith.cmpf olt, %get3A_665, %scan3A_593 : vector<16xf32>
      %select_n3A_667 = arith.select %lt3A_666, %get3A_665, %scan3A_593 : vector<16xi1>, vector<16xf32>
      %broadcast_in_dim3A_668 = vector.broadcast %convert_element_type3A : f32 to vector<16xf32>
      %select_n3A_669 = arith.select %lt3A_666, %broadcast_in_dim3A_668, %scan3A_594 : vector<16xi1>, vector<16xf32>
      %get3A_670 = arith.constant 0 : i32
      %get3A_671 = arith.constant 0 : i32
      %get3A_672 = tpu.memref_slice %arg4[%scan3A_520, %get3A_670, %get3A_671] : memref<2x256x128xf32, #tpu.memory_space<vmem>> -> memref<1x256x128xf32, #tpu.memory_space<vmem>>
      %get3A_673 = tpu.memref_squeeze %get3A_672 : memref<1x256x128xf32, #tpu.memory_space<vmem>> -> memref<256x128xf32, #tpu.memory_space<vmem>>
      %get3A_674 = arith.index_cast %scan3A_582 : i32 to index
      %get3A_675 = arith.constant 96 : index
      %get3A_676 = tpu.vector_load %get3A_673[%get3A_674, %get3A_675] {strides = array<i32>} : memref<256x128xf32, #tpu.memory_space<vmem>>, vector<1x16xf32>,
      %get3A_677 = vector.shape_cast %get3A_676 : vector<1x16xf32> to vector<16xf32>
      %lt3A_678 = arith.cmpf olt, %get3A_677, %scan3A_595 : vector<16xf32>
      %select_n3A_679 = arith.select %lt3A_678, %get3A_677, %scan3A_595 : vector<16xi1>, vector<16xf32>
      %broadcast_in_dim3A_680 = vector.broadcast %convert_element_type3A : f32 to vector<16xf32>
      %select_n3A_681 = arith.select %lt3A_678, %broadcast_in_dim3A_680, %scan3A_596 : vector<16xi1>, vector<16xf32>
      %get3A_682 = arith.constant 0 : i32
      %get3A_683 = arith.constant 0 : i32
      %get3A_684 = tpu.memref_slice %arg4[%scan3A_520, %get3A_682, %get3A_683] : memref<2x256x128xf32, #tpu.memory_space<vmem>> -> memref<1x256x128xf32, #tpu.memory_space<vmem>>
      %get3A_685 = tpu.memref_squeeze %get3A_684 : memref<1x256x128xf32, #tpu.memory_space<vmem>> -> memref<256x128xf32, #tpu.memory_space<vmem>>
      %get3A_686 = arith.index_cast %scan3A_582 : i32 to index
      %get3A_687 = arith.constant 112 : index
      %get3A_688 = tpu.vector_load %get3A_685[%get3A_686, %get3A_687] {strides = array<i32>} : memref<256x128xf32, #tpu.memory_space<vmem>>, vector<1x16xf32>,
      %get3A_689 = vector.shape_cast %get3A_688 : vector<1x16xf32> to vector<16xf32>
      %lt3A_690 = arith.cmpf olt, %get3A_689, %scan3A_597 : vector<16xf32>
      %select_n3A_691 = arith.select %lt3A_690, %get3A_689, %scan3A_597 : vector<16xi1>, vector<16xf32>
      %broadcast_in_dim3A_692 = vector.broadcast %convert_element_type3A : f32 to vector<16xf32>
      %select_n3A_693 = arith.select %lt3A_690, %broadcast_in_dim3A_692, %scan3A_598 : vector<16xi1>, vector<16xf32>
      scf.yield %select_n3A, %select_n3A_609, %select_n3A_619, %select_n3A_621, %select_n3A_631, %select_n3A_633, %select_n3A_643, %select_n3A_645, %select_n3A_655, %select_n3A_657, %select_n3A_667, %select_n3A_669, %select_n3A_679, %select_n3A_681, %select_n3A_691, %select_n3A_693 : vector<16xf32>, vector<16xf32>, vector<16xf32>, vector<16xf32>, vector<16xf32>, vector<16xf32>, vector<16xf32>, vector<16xf32>, vector<16xf32>, vector<16xf32>, vector<16xf32>, vector<16xf32>, vector<16xf32>, vector<16xf32>, vector<16xf32>, vector<16xf32>
    }
    %scan3A_526 = arith.constant 256 : i32
    %dma_wait3A_527 = arith.constant 1 : i32
    %dma_wait3A_528 = arith.constant 1 : i32
    %dma_wait3A_529 = arith.constant 0 : i32
    %dma_wait3A_530 = arith.constant 0 : i32
    %dma_wait3A_531 = tpu.memref_slice %arg4[%dma_wait3A_527, %dma_wait3A_529, %dma_wait3A_530] : memref<2x256x128xf32, #tpu.memory_space<vmem>> -> memref<1x256x128xf32, #tpu.memory_space<vmem>>
    %dma_wait3A_532 = tpu.memref_squeeze %dma_wait3A_531 : memref<1x256x128xf32, #tpu.memory_space<vmem>> -> memref<256x128xf32, #tpu.memory_space<vmem>>
    %dma_wait3A_533 = arith.constant 256 : i32
    %dma_wait3A_534 = tpu.memref_slice %arg2[%dma_wait3A_533, %add3A_455] : memref<512x16384xf32, #tpu.memory_space<hbm>> -> memref<256x128xf32, #tpu.memory_space<hbm>>
    %dma_wait3A_535 = tpu.memref_slice %arg6[%dma_wait3A_528] : memref<2x!tpu.dma_semaphore, #tpu.memory_space<semaphore_mem>> -> memref<1x!tpu.dma_semaphore, #tpu.memory_space<semaphore_mem>>
    %dma_wait3A_536 = tpu.memref_squeeze %dma_wait3A_535 : memref<1x!tpu.dma_semaphore, #tpu.memory_space<semaphore_mem>> -> memref<!tpu.dma_semaphore, #tpu.memory_space<semaphore_mem>>
    %dma_wait3A_537 = arith.constant 0 : i32
    %dma_wait3A_538 = arith.constant 0 : i32
    %dma_wait3A_539 = tpu.memref_slice %arg4[%dma_wait3A_527, %dma_wait3A_537, %dma_wait3A_538] : memref<2x256x128xf32, #tpu.memory_space<vmem>> -> memref<1x256x128xf32, #tpu.memory_space<vmem>>
    %dma_wait3A_540 = tpu.memref_squeeze %dma_wait3A_539 : memref<1x256x128xf32, #tpu.memory_space<vmem>> -> memref<256x128xf32, #tpu.memory_space<vmem>>
    %dma_wait3A_541 = arith.constant 256 : i32
    %dma_wait3A_542 = tpu.memref_slice %arg2[%dma_wait3A_541, %add3A_455] : memref<512x16384xf32, #tpu.memory_space<hbm>> -> memref<256x128xf32, #tpu.memory_space<hbm>>
    tpu.wait_dma2 semaphore(%dma_wait3A_536 : memref<!tpu.dma_semaphore, #tpu.memory_space<semaphore_mem>>) src(%dma_wait3A_542 : memref<256x128xf32, #tpu.memory_space<hbm>>) dst(%dma_wait3A_540 : memref<256x128xf32, #tpu.memory_space<vmem>>)
    %scan3A_543 = arith.constant 1 : i32
    %scan3A_544 = arith.constant 0 : i32
    %scan3A_545 = arith.constant 256 : i32
    %scan3A_546 = arith.addi %scan3A_544, %scan3A_545 : i32
    %scan3A_547 = arith.constant 1 : i32
    %scan3A_548:16 = scf.for %scan3A_582 = %scan3A_544 to %scan3A_546 step %scan3A_547 iter_args(%scan3A_583 = %scan3A_525#0, %scan3A_584 = %scan3A_525#1, %scan3A_585 = %scan3A_525#2, %scan3A_586 = %scan3A_525#3, %scan3A_587 = %scan3A_525#4, %scan3A_588 = %scan3A_525#5, %scan3A_589 = %scan3A_525#6, %scan3A_590 = %scan3A_525#7, %scan3A_591 = %scan3A_525#8, %scan3A_592 = %scan3A_525#9, %scan3A_593 = %scan3A_525#10, %scan3A_594 = %scan3A_525#11, %scan3A_595 = %scan3A_525#12, %scan3A_596 = %scan3A_525#13, %scan3A_597 = %scan3A_525#14, %scan3A_598 = %scan3A_525#15) -> (vector<16xf32>, vector<16xf32>, vector<16xf32>, vector<16xf32>, vector<16xf32>, vector<16xf32>, vector<16xf32>, vector<16xf32>, vector<16xf32>, vector<16xf32>, vector<16xf32>, vector<16xf32>, vector<16xf32>, vector<16xf32>, vector<16xf32>, vector<16xf32>)  : i32 {
      %add3A_599 = arith.constant 256 : i32
      %add3A_600 = arith.addi %scan3A_582, %add3A_599 : i32
      %convert_element_type3A = arith.sitofp %add3A_600 : i32 to f32
      %get3A = arith.constant 0 : i32
      %get3A_601 = arith.constant 0 : i32
      %get3A_602 = tpu.memref_slice %arg4[%scan3A_543, %get3A, %get3A_601] : memref<2x256x128xf32, #tpu.memory_space<vmem>> -> memref<1x256x128xf32, #tpu.memory_space<vmem>>
      %get3A_603 = tpu.memref_squeeze %get3A_602 : memref<1x256x128xf32, #tpu.memory_space<vmem>> -> memref<256x128xf32, #tpu.memory_space<vmem>>
      %get3A_604 = arith.index_cast %scan3A_582 : i32 to index
      %get3A_605 = arith.constant 0 : index
      %get3A_606 = tpu.vector_load %get3A_603[%get3A_604, %get3A_605] {strides = array<i32>} : memref<256x128xf32, #tpu.memory_space<vmem>>, vector<1x16xf32>,
      %get3A_607 = vector.shape_cast %get3A_606 : vector<1x16xf32> to vector<16xf32>
      %lt3A = arith.cmpf olt, %get3A_607, %scan3A_583 : vector<16xf32>
      %select_n3A = arith.select %lt3A, %get3A_607, %scan3A_583 : vector<16xi1>, vector<16xf32>
      %broadcast_in_dim3A_608 = vector.broadcast %convert_element_type3A : f32 to vector<16xf32>
      %select_n3A_609 = arith.select %lt3A, %broadcast_in_dim3A_608, %scan3A_584 : vector<16xi1>, vector<16xf32>
      %get3A_610 = arith.constant 0 : i32
      %get3A_611 = arith.constant 0 : i32
      %get3A_612 = tpu.memref_slice %arg4[%scan3A_543, %get3A_610, %get3A_611] : memref<2x256x128xf32, #tpu.memory_space<vmem>> -> memref<1x256x128xf32, #tpu.memory_space<vmem>>
      %get3A_613 = tpu.memref_squeeze %get3A_612 : memref<1x256x128xf32, #tpu.memory_space<vmem>> -> memref<256x128xf32, #tpu.memory_space<vmem>>
      %get3A_614 = arith.index_cast %scan3A_582 : i32 to index
      %get3A_615 = arith.constant 16 : index
      %get3A_616 = tpu.vector_load %get3A_613[%get3A_614, %get3A_615] {strides = array<i32>} : memref<256x128xf32, #tpu.memory_space<vmem>>, vector<1x16xf32>,
      %get3A_617 = vector.shape_cast %get3A_616 : vector<1x16xf32> to vector<16xf32>
      %lt3A_618 = arith.cmpf olt, %get3A_617, %scan3A_585 : vector<16xf32>
      %select_n3A_619 = arith.select %lt3A_618, %get3A_617, %scan3A_585 : vector<16xi1>, vector<16xf32>
      %broadcast_in_dim3A_620 = vector.broadcast %convert_element_type3A : f32 to vector<16xf32>
      %select_n3A_621 = arith.select %lt3A_618, %broadcast_in_dim3A_620, %scan3A_586 : vector<16xi1>, vector<16xf32>
      %get3A_622 = arith.constant 0 : i32
      %get3A_623 = arith.constant 0 : i32
      %get3A_624 = tpu.memref_slice %arg4[%scan3A_543, %get3A_622, %get3A_623] : memref<2x256x128xf32, #tpu.memory_space<vmem>> -> memref<1x256x128xf32, #tpu.memory_space<vmem>>
      %get3A_625 = tpu.memref_squeeze %get3A_624 : memref<1x256x128xf32, #tpu.memory_space<vmem>> -> memref<256x128xf32, #tpu.memory_space<vmem>>
      %get3A_626 = arith.index_cast %scan3A_582 : i32 to index
      %get3A_627 = arith.constant 32 : index
      %get3A_628 = tpu.vector_load %get3A_625[%get3A_626, %get3A_627] {strides = array<i32>} : memref<256x128xf32, #tpu.memory_space<vmem>>, vector<1x16xf32>,
      %get3A_629 = vector.shape_cast %get3A_628 : vector<1x16xf32> to vector<16xf32>
      %lt3A_630 = arith.cmpf olt, %get3A_629, %scan3A_587 : vector<16xf32>
      %select_n3A_631 = arith.select %lt3A_630, %get3A_629, %scan3A_587 : vector<16xi1>, vector<16xf32>
      %broadcast_in_dim3A_632 = vector.broadcast %convert_element_type3A : f32 to vector<16xf32>
      %select_n3A_633 = arith.select %lt3A_630, %broadcast_in_dim3A_632, %scan3A_588 : vector<16xi1>, vector<16xf32>
      %get3A_634 = arith.constant 0 : i32
      %get3A_635 = arith.constant 0 : i32
      %get3A_636 = tpu.memref_slice %arg4[%scan3A_543, %get3A_634, %get3A_635] : memref<2x256x128xf32, #tpu.memory_space<vmem>> -> memref<1x256x128xf32, #tpu.memory_space<vmem>>
      %get3A_637 = tpu.memref_squeeze %get3A_636 : memref<1x256x128xf32, #tpu.memory_space<vmem>> -> memref<256x128xf32, #tpu.memory_space<vmem>>
      %get3A_638 = arith.index_cast %scan3A_582 : i32 to index
      %get3A_639 = arith.constant 48 : index
      %get3A_640 = tpu.vector_load %get3A_637[%get3A_638, %get3A_639] {strides = array<i32>} : memref<256x128xf32, #tpu.memory_space<vmem>>, vector<1x16xf32>,
      %get3A_641 = vector.shape_cast %get3A_640 : vector<1x16xf32> to vector<16xf32>
      %lt3A_642 = arith.cmpf olt, %get3A_641, %scan3A_589 : vector<16xf32>
      %select_n3A_643 = arith.select %lt3A_642, %get3A_641, %scan3A_589 : vector<16xi1>, vector<16xf32>
      %broadcast_in_dim3A_644 = vector.broadcast %convert_element_type3A : f32 to vector<16xf32>
      %select_n3A_645 = arith.select %lt3A_642, %broadcast_in_dim3A_644, %scan3A_590 : vector<16xi1>, vector<16xf32>
      %get3A_646 = arith.constant 0 : i32
      %get3A_647 = arith.constant 0 : i32
      %get3A_648 = tpu.memref_slice %arg4[%scan3A_543, %get3A_646, %get3A_647] : memref<2x256x128xf32, #tpu.memory_space<vmem>> -> memref<1x256x128xf32, #tpu.memory_space<vmem>>
      %get3A_649 = tpu.memref_squeeze %get3A_648 : memref<1x256x128xf32, #tpu.memory_space<vmem>> -> memref<256x128xf32, #tpu.memory_space<vmem>>
      %get3A_650 = arith.index_cast %scan3A_582 : i32 to index
      %get3A_651 = arith.constant 64 : index
      %get3A_652 = tpu.vector_load %get3A_649[%get3A_650, %get3A_651] {strides = array<i32>} : memref<256x128xf32, #tpu.memory_space<vmem>>, vector<1x16xf32>,
      %get3A_653 = vector.shape_cast %get3A_652 : vector<1x16xf32> to vector<16xf32>
      %lt3A_654 = arith.cmpf olt, %get3A_653, %scan3A_591 : vector<16xf32>
      %select_n3A_655 = arith.select %lt3A_654, %get3A_653, %scan3A_591 : vector<16xi1>, vector<16xf32>
      %broadcast_in_dim3A_656 = vector.broadcast %convert_element_type3A : f32 to vector<16xf32>
      %select_n3A_657 = arith.select %lt3A_654, %broadcast_in_dim3A_656, %scan3A_592 : vector<16xi1>, vector<16xf32>
      %get3A_658 = arith.constant 0 : i32
      %get3A_659 = arith.constant 0 : i32
      %get3A_660 = tpu.memref_slice %arg4[%scan3A_543, %get3A_658, %get3A_659] : memref<2x256x128xf32, #tpu.memory_space<vmem>> -> memref<1x256x128xf32, #tpu.memory_space<vmem>>
      %get3A_661 = tpu.memref_squeeze %get3A_660 : memref<1x256x128xf32, #tpu.memory_space<vmem>> -> memref<256x128xf32, #tpu.memory_space<vmem>>
      %get3A_662 = arith.index_cast %scan3A_582 : i32 to index
      %get3A_663 = arith.constant 80 : index
      %get3A_664 = tpu.vector_load %get3A_661[%get3A_662, %get3A_663] {strides = array<i32>} : memref<256x128xf32, #tpu.memory_space<vmem>>, vector<1x16xf32>,
      %get3A_665 = vector.shape_cast %get3A_664 : vector<1x16xf32> to vector<16xf32>
      %lt3A_666 = arith.cmpf olt, %get3A_665, %scan3A_593 : vector<16xf32>
      %select_n3A_667 = arith.select %lt3A_666, %get3A_665, %scan3A_593 : vector<16xi1>, vector<16xf32>
      %broadcast_in_dim3A_668 = vector.broadcast %convert_element_type3A : f32 to vector<16xf32>
      %select_n3A_669 = arith.select %lt3A_666, %broadcast_in_dim3A_668, %scan3A_594 : vector<16xi1>, vector<16xf32>
      %get3A_670 = arith.constant 0 : i32
      %get3A_671 = arith.constant 0 : i32
      %get3A_672 = tpu.memref_slice %arg4[%scan3A_543, %get3A_670, %get3A_671] : memref<2x256x128xf32, #tpu.memory_space<vmem>> -> memref<1x256x128xf32, #tpu.memory_space<vmem>>
      %get3A_673 = tpu.memref_squeeze %get3A_672 : memref<1x256x128xf32, #tpu.memory_space<vmem>> -> memref<256x128xf32, #tpu.memory_space<vmem>>
      %get3A_674 = arith.index_cast %scan3A_582 : i32 to index
      %get3A_675 = arith.constant 96 : index
      %get3A_676 = tpu.vector_load %get3A_673[%get3A_674, %get3A_675] {strides = array<i32>} : memref<256x128xf32, #tpu.memory_space<vmem>>, vector<1x16xf32>,
      %get3A_677 = vector.shape_cast %get3A_676 : vector<1x16xf32> to vector<16xf32>
      %lt3A_678 = arith.cmpf olt, %get3A_677, %scan3A_595 : vector<16xf32>
      %select_n3A_679 = arith.select %lt3A_678, %get3A_677, %scan3A_595 : vector<16xi1>, vector<16xf32>
      %broadcast_in_dim3A_680 = vector.broadcast %convert_element_type3A : f32 to vector<16xf32>
      %select_n3A_681 = arith.select %lt3A_678, %broadcast_in_dim3A_680, %scan3A_596 : vector<16xi1>, vector<16xf32>
      %get3A_682 = arith.constant 0 : i32
      %get3A_683 = arith.constant 0 : i32
      %get3A_684 = tpu.memref_slice %arg4[%scan3A_543, %get3A_682, %get3A_683] : memref<2x256x128xf32, #tpu.memory_space<vmem>> -> memref<1x256x128xf32, #tpu.memory_space<vmem>>
      %get3A_685 = tpu.memref_squeeze %get3A_684 : memref<1x256x128xf32, #tpu.memory_space<vmem>> -> memref<256x128xf32, #tpu.memory_space<vmem>>
      %get3A_686 = arith.index_cast %scan3A_582 : i32 to index
      %get3A_687 = arith.constant 112 : index
      %get3A_688 = tpu.vector_load %get3A_685[%get3A_686, %get3A_687] {strides = array<i32>} : memref<256x128xf32, #tpu.memory_space<vmem>>, vector<1x16xf32>,
      %get3A_689 = vector.shape_cast %get3A_688 : vector<1x16xf32> to vector<16xf32>
      %lt3A_690 = arith.cmpf olt, %get3A_689, %scan3A_597 : vector<16xf32>
      %select_n3A_691 = arith.select %lt3A_690, %get3A_689, %scan3A_597 : vector<16xi1>, vector<16xf32>
      %broadcast_in_dim3A_692 = vector.broadcast %convert_element_type3A : f32 to vector<16xf32>
      %select_n3A_693 = arith.select %lt3A_690, %broadcast_in_dim3A_692, %scan3A_598 : vector<16xi1>, vector<16xf32>
      scf.yield %select_n3A, %select_n3A_609, %select_n3A_619, %select_n3A_621, %select_n3A_631, %select_n3A_633, %select_n3A_643, %select_n3A_645, %select_n3A_655, %select_n3A_657, %select_n3A_667, %select_n3A_669, %select_n3A_679, %select_n3A_681, %select_n3A_691, %select_n3A_693 : vector<16xf32>, vector<16xf32>, vector<16xf32>, vector<16xf32>, vector<16xf32>, vector<16xf32>, vector<16xf32>, vector<16xf32>, vector<16xf32>, vector<16xf32>, vector<16xf32>, vector<16xf32>, vector<16xf32>, vector<16xf32>, vector<16xf32>, vector<16xf32>
    }
    %scan3A_549 = arith.constant 256 : i32
    %swap3A_550 = arith.constant 384 : index
    %swap3A_551 = tpu.vector_load %arg5[%swap3A_550] {strides = array<i32>} : memref<512xf32, #tpu.memory_space<vmem>>, vector<16xf32>,
    %swap3A_552 = vector.shape_cast %swap3A_551 : vector<16xf32> to vector<16xf32>
    %swap3A_553 = vector.shape_cast %scan3A_548#1 : vector<16xf32> to vector<16xf32>
    tpu.vector_store %arg5[%swap3A_550], %swap3A_553 {strides = array<i32>} : memref<512xf32, #tpu.memory_space<vmem>>, vector<16xf32>,
    %swap3A_554 = arith.constant 400 : index
    %swap3A_555 = tpu.vector_load %arg5[%swap3A_554] {strides = array<i32>} : memref<512xf32, #tpu.memory_space<vmem>>, vector<16xf32>,
    %swap3A_556 = vector.shape_cast %swap3A_555 : vector<16xf32> to vector<16xf32>
    %swap3A_557 = vector.shape_cast %scan3A_548#3 : vector<16xf32> to vector<16xf32>
    tpu.vector_store %arg5[%swap3A_554], %swap3A_557 {strides = array<i32>} : memref<512xf32, #tpu.memory_space<vmem>>, vector<16xf32>,
    %swap3A_558 = arith.constant 416 : index
    %swap3A_559 = tpu.vector_load %arg5[%swap3A_558] {strides = array<i32>} : memref<512xf32, #tpu.memory_space<vmem>>, vector<16xf32>,
    %swap3A_560 = vector.shape_cast %swap3A_559 : vector<16xf32> to vector<16xf32>
    %swap3A_561 = vector.shape_cast %scan3A_548#5 : vector<16xf32> to vector<16xf32>
    tpu.vector_store %arg5[%swap3A_558], %swap3A_561 {strides = array<i32>} : memref<512xf32, #tpu.memory_space<vmem>>, vector<16xf32>,
    %swap3A_562 = arith.constant 432 : index
    %swap3A_563 = tpu.vector_load %arg5[%swap3A_562] {strides = array<i32>} : memref<512xf32, #tpu.memory_space<vmem>>, vector<16xf32>,
    %swap3A_564 = vector.shape_cast %swap3A_563 : vector<16xf32> to vector<16xf32>
    %swap3A_565 = vector.shape_cast %scan3A_548#7 : vector<16xf32> to vector<16xf32>
    tpu.vector_store %arg5[%swap3A_562], %swap3A_565 {strides = array<i32>} : memref<512xf32, #tpu.memory_space<vmem>>, vector<16xf32>,
    %swap3A_566 = arith.constant 448 : index
    %swap3A_567 = tpu.vector_load %arg5[%swap3A_566] {strides = array<i32>} : memref<512xf32, #tpu.memory_space<vmem>>, vector<16xf32>,
    %swap3A_568 = vector.shape_cast %swap3A_567 : vector<16xf32> to vector<16xf32>
    %swap3A_569 = vector.shape_cast %scan3A_548#9 : vector<16xf32> to vector<16xf32>
    tpu.vector_store %arg5[%swap3A_566], %swap3A_569 {strides = array<i32>} : memref<512xf32, #tpu.memory_space<vmem>>, vector<16xf32>,
    %swap3A_570 = arith.constant 464 : index
    %swap3A_571 = tpu.vector_load %arg5[%swap3A_570] {strides = array<i32>} : memref<512xf32, #tpu.memory_space<vmem>>, vector<16xf32>,
    %swap3A_572 = vector.shape_cast %swap3A_571 : vector<16xf32> to vector<16xf32>
    %swap3A_573 = vector.shape_cast %scan3A_548#11 : vector<16xf32> to vector<16xf32>
    tpu.vector_store %arg5[%swap3A_570], %swap3A_573 {strides = array<i32>} : memref<512xf32, #tpu.memory_space<vmem>>, vector<16xf32>,
    %swap3A_574 = arith.constant 480 : index
    %swap3A_575 = tpu.vector_load %arg5[%swap3A_574] {strides = array<i32>} : memref<512xf32, #tpu.memory_space<vmem>>, vector<16xf32>,
    %swap3A_576 = vector.shape_cast %swap3A_575 : vector<16xf32> to vector<16xf32>
    %swap3A_577 = vector.shape_cast %scan3A_548#13 : vector<16xf32> to vector<16xf32>
    tpu.vector_store %arg5[%swap3A_574], %swap3A_577 {strides = array<i32>} : memref<512xf32, #tpu.memory_space<vmem>>, vector<16xf32>,
    %swap3A_578 = arith.constant 496 : index
    %swap3A_579 = tpu.vector_load %arg5[%swap3A_578] {strides = array<i32>} : memref<512xf32, #tpu.memory_space<vmem>>, vector<16xf32>,
    %swap3A_580 = vector.shape_cast %swap3A_579 : vector<16xf32> to vector<16xf32>
    %swap3A_581 = vector.shape_cast %scan3A_548#15 : vector<16xf32> to vector<16xf32>
    tpu.vector_store %arg5[%swap3A_578], %swap3A_581 {strides = array<i32>} : memref<512xf32, #tpu.memory_space<vmem>>, vector<16xf32>,
    "tpu.region"() ({
      %run_scoped3A = tpu.sem_alloc : memref<!tpu.dma_semaphore, #tpu.memory_space<semaphore_mem>>
      %dma_start3A_582 = tpu.memref_slice %arg3[%mul3A_2] : memref<16384xf32, #tpu.memory_space<hbm>> -> memref<512xf32, #tpu.memory_space<hbm>>
      %dma_start3A_583 = tpu.memref_slice %arg3[%mul3A_2] : memref<16384xf32, #tpu.memory_space<hbm>> -> memref<512xf32, #tpu.memory_space<hbm>>
      tpu.enqueue_dma source(%arg5 : memref<512xf32, #tpu.memory_space<vmem>>) target(%dma_start3A_583 : memref<512xf32, #tpu.memory_space<hbm>>) target_semaphore(%run_scoped3A : memref<!tpu.dma_semaphore, #tpu.memory_space<semaphore_mem>>)
      %dma_wait3A_584 = tpu.memref_slice %arg3[%mul3A_2] : memref<16384xf32, #tpu.memory_space<hbm>> -> memref<512xf32, #tpu.memory_space<hbm>>
      %dma_wait3A_585 = tpu.memref_slice %arg3[%mul3A_2] : memref<16384xf32, #tpu.memory_space<hbm>> -> memref<512xf32, #tpu.memory_space<hbm>>
      tpu.wait_dma2 semaphore(%run_scoped3A : memref<!tpu.dma_semaphore, #tpu.memory_space<semaphore_mem>>) src(%arg5 : memref<512xf32, #tpu.memory_space<vmem>>) dst(%dma_wait3A_585 : memref<512xf32, #tpu.memory_space<hbm>>)
      tpu.yield
    }) : () -> ()
    return
  }
}

module attributes {stable_mosaic.version = 14 : i64} {
  func.func @_dist_block(%arg0: i32, %arg1: memref<2048x32xf32, #tpu.memory_space<vmem>>, %arg2: memref<32x512xf32, #tpu.memory_space<vmem>>, %arg3: memref<512x2048xf32, #tpu.memory_space<vmem>>) attributes {dimension_semantics = [#tpu.dimension_semantics<arbitrary>], iteration_bounds = array<i64: 8>, scalar_prefetch = 0 : i64, scratch_operands = 0 : i64, tpu.core_type = #tpu.core_type<tc>, window_params = [{transform_indices = @transform_0, window_bounds = array<i64: 2048, 32>}, {pipeline_mode = #tpu.pipeline_mode<synchronous>, transform_indices = @transform_1, window_bounds = array<i64: 32, 512>}, {transform_indices = @transform_2, window_bounds = array<i64: 512, 2048>}]} {
    %get3A = arith.constant 0 : index
    %get3A_0 = arith.constant 0 : index
    %get3A_1 = vector.load %arg1[%get3A, %get3A_0] : memref<2048x32xf32, #tpu.memory_space<vmem>>, vector<2048x32xf32>
    %get3A_2 = arith.constant 0 : index
    %get3A_3 = arith.constant 0 : index
    %get3A_4 = vector.load %arg2[%get3A_2, %get3A_3] : memref<32x512xf32, #tpu.memory_space<vmem>>, vector<32x512xf32>
    %dot_general3A = arith.constant dense<0.000000e+00> : vector<512x2048xf32>
    %dot_general3A_5 = tpu.matmul %get3A_4, %get3A_1, %dot_general3A {dimension_numbers = #tpu.dot_dimension_numbers<[0], [1], [1], [0], [0, 1, 1, 0], [], []>, precision = #tpu.contract_precision<fp32>, transpose_lhs_hint = false} : vector<32x512xf32>, vector<2048x32xf32>, vector<512x2048xf32> -> vector<512x2048xf32>
    %mul3A = arith.mulf %get3A_4, %get3A_4 : vector<32x512xf32>
    %reduce_sum3A = arith.constant dense<0.000000e+00> : vector<512xf32>
    %reduce_sum3A_6 = vector.multi_reduction <add>, %mul3A, %reduce_sum3A [0] : vector<32x512xf32> to vector<512xf32>
    %broadcast_in_dim3A = vector.shape_cast %reduce_sum3A_6 : vector<512xf32> to vector<512x1xf32>
    %mul3A_7 = arith.constant 2.000000e+00 : f32
    %mul3A_8 = vector.broadcast %mul3A_7 : f32 to vector<512x2048xf32>
    %mul3A_9 = arith.mulf %mul3A_8, %dot_general3A_5 : vector<512x2048xf32>
    %sub3A = vector.broadcast %broadcast_in_dim3A : vector<512x1xf32> to vector<512x2048xf32>
    %sub3A_10 = arith.subf %sub3A, %mul3A_9 : vector<512x2048xf32>
    %swap3A = arith.constant 0 : index
    %swap3A_11 = arith.constant 0 : index
    %swap3A_12 = vector.load %arg3[%swap3A, %swap3A_11] : memref<512x2048xf32, #tpu.memory_space<vmem>>, vector<512x2048xf32>
    tpu.vector_store %arg3[%swap3A, %swap3A_11], %sub3A_10 {strides = array<i32>} : memref<512x2048xf32, #tpu.memory_space<vmem>>, vector<512x2048xf32>,
    return
  }
  func.func @transform_0(%arg0: i32) -> (i32, i32) {
    %c0_i32 = arith.constant 0 : i32
    %c0_i32_0 = arith.constant 0 : i32
    return %arg0, %c0_i32 : i32, i32
  }
  func.func @transform_1(%arg0: i32) -> (i32, i32) {
    %c0_i32 = arith.constant 0 : i32
    %c0_i32_0 = arith.constant 0 : i32
    %c0_i32_1 = arith.constant 0 : i32
    return %c0_i32, %c0_i32_0 : i32, i32
  }
  func.func @transform_2(%arg0: i32) -> (i32, i32) {
    %c0_i32 = arith.constant 0 : i32
    %c0_i32_0 = arith.constant 0 : i32
    return %c0_i32, %arg0 : i32, i32
  }
}

</mosaic_0001>

<sc_bundles>
// kernel: kernel.4.cloned.1.call-start
scs
__scs_entry_jumppad:
0x0: {  	(pc) =	sbr.rel $0x88, $3  }
0x1: {  	(tag) =	ssettag $0x0;
	lr =	simm.s32 $0x1  }
0x2: {  	[smem:$0x3F9F] =	sst lr;
	_ =	strace $0xD0000000  }
0x3: {  	_ = 	snop  }
0x4: {  	_ = 	snop  }
0x5: {  	_ = 	snop  }
0x6: {  	_ = 	snop  }
0x7: {  	_ = 	snop  }
__scs_overlays_trampoline_lowered:
0x8: {  	[smem:$0x3FAE] =	sst s0  }
0x9: {  	[smem:$0x3FAF] =	sst s1  }
0xa: {  	[smem:$0x3FB0] =	sst s2  }
0xb: {  	[smem:$0x3FB1] =	sst s3  }
0xc: {  	[smem:$0x3FB2] =	sst s4  }
0xd: {  	[smem:$0x3FB3] =	sst s5  }
0xe: {  	[smem:$0x3FB4] =	sst s6  }
0xf: {  	[smem:$0x3FB5] =	sst s7  }
0x10: {  	[smem:$0x3FB6] =	sst s8  }
0x11: {  	[smem:$0x3FB7] =	sst s9;
	s0 =	simm.s32 @!p0 $0x0  }
0x12: {  	s1 =	sld [smem:$0x3F9D];
	s0 =	simm.s32 @p0 $0x1  }
0x13: {  	[smem:$0x3FB8] =	sst s0;
	s0 =	simm.s32 @!p1 $0x0  }
0x14: {  	s2 =	sld [smem:$0x3F9C];
	s0 =	simm.s32 @p1 $0x1  }
0x15: {  	[smem:$0x3FB9] =	sst s0;
	s0 =	simm.s32 @!p2 $0x0  }
0x16: {  	s3 =	sld [smem:$0x3FDB];
	s0 =	simm.s32 @p2 $0x1  }
0x17: {  	s4 =	simm.s32 $0x1BF5;
	[smem:$0x3FBB] =	sst s0  }
0x18: {  	s0 =	sld [smem:$0x3F9E];
	_ =	swait.ge [sflag:s4], $0x0  }
0x19: {  	s7 =	sld [smem:$0x3F9F]  }
0x1a: {  	s8 =	sadd.s32 $0xFFFFE003, lr  }
0x1b: {  	s9 =	sadd.s32 $0xFFFFFEF7, lr;
	s5 =	simm.s32 $0xFFFFFFFF;
	p2 =	slt.u32 s8, $0xFFFFF086  }
0x1c: {  	p1 =	slt.u32 s9, $0xF7A;
	s5 =	simm.s32 @!p2 $0x0  }
0x1d: {  	s5 =	simm.s32 @p1 $0x1;
	p0 =	seq.s32 s7, s2  }
0x1e: {  	s7 =	smul.u32 @!p0 $0xF7A, s2;
	p2 =	seq.s32 @!p0 s5, $0x0  }
0x1f: {  	s9 =	smul.u32 $0xF7A, s1;
	s8 =	simm.s32 @!p0 $0x1BF5;
	p2 =	por !p2, p0  }
0x20: {  	[sflag:s8] =	ssyncset.s32 @!p0 $0xFFFFF086;
	s6 =	sadd.s32 @!p0 s3, s7;
	s7 =	simm.s32 @!p0 $0x108  }
0x21: {  	s3 =	sadd.s32 s3, s9;
	s6 =	sadd.s32 @!p0 $0x88, s6;
	s7 =	simm.s32 @p2 $0x1082  }
0x22: {  	[simem:s7], [sflag:s8] =	dma.local @!p0 [hbm:s6], $0xF7A  }
0x23: {  	s9 =	sor.u32 $0xD0000000, s2;
	s6 =	simm.s32 $0x108;
	_ =	swait.ge @!p0 [sflag:s8], $0x0  }
0x24: {  	s3 =	sadd.s32 $0x88, s3;
	s6 =	simm.s32 @!p1 $0x1082;
	[sflag:s4] =	ssyncset.s32 $0xFFFFF086  }
0x25: {  	[simem:s6], [sflag:s4] =	dma.local [hbm:s3], $0xF7A  }
0x26: {  	[smem:$0x3F9F] =	sst s1;
	(tag) =	ssettag s2;
	_ =	strace s9  }
0x27: {  	s1 =	sld [smem:$0x3FAF]  }
0x28: {  	s2 =	sld [smem:$0x3FB0]  }
0x29: {  	s4 =	sld [smem:$0x3FB2]  }
0x2a: {  	p0 =	seq.s32 s5, $0x0;
	s5 =	sld [smem:$0x3FB3]  }
0x2b: {  	s6 =	sld [smem:$0x3FB4]  }
0x2c: {  	s7 =	sld [smem:$0x3FB5]  }
0x2d: {  	s3 =	simm.s32 $0x108;
	s8 =	sld [smem:$0x3FB6]  }
0x2e: {  	s3 =	simm.s32 @!p0 $0x1082;
	s9 =	sld [smem:$0x3FB7]  }
0x2f: {  	lr =	sadd.s32 s0, s3;
	s0 =	sld [smem:$0x3FAE]  }
0x30: {  	s3 =	sld [smem:$0x3FB1]  }
0x31: {  	[smem:$0x3FBA] =	sst s10  }
0x32: {  	s10 =	sld [smem:$0x3FB8];
	_ =	sdelay $0x3  }
0x33: {  	p0 =	seq.s32 s10, $0x1;
	s10 =	sld [smem:$0x3FBA];
	_ =	sdelay $0x3  }
0x34: {  	[smem:$0x3FBA] =	sst s10  }
0x35: {  	s10 =	sld [smem:$0x3FB9];
	_ =	sdelay $0x3  }
0x36: {  	p1 =	seq.s32 s10, $0x1;
	s10 =	sld [smem:$0x3FBA];
	_ =	sdelay $0x3  }
0x37: {  	[smem:$0x3FBA] =	sst s10  }
0x38: {  	s10 =	sld [smem:$0x3FBB]  }
0x39: {  	_ = 	snop;
	(pc) =	sbr.ind lr, $3  }
0x3a: {  	_ = 	snop  }
0x3b: {  	_ = 	snop  }
0x3c: {  	p2 =	seq.s32 s10, $0x1;
	s10 =	sld [smem:$0x3FBA]  }
0x3d: {  	_ =	shalt  }
0x3e: {  	_ =	shalt  }
0x3f: {  	_ =	shalt  }
0x40: {  	_ =	shalt  }
0x41: {  	_ =	shalt  }
0x42: {  	_ =	shalt  }
0x43: {  	_ =	shalt  }
0x44: {  	_ =	shalt  }
0x45: {  	_ =	shalt  }
0x46: {  	_ =	shalt  }
0x47: {  	_ =	shalt  }
0x48: {  	_ =	shalt  }
0x49: {  	_ =	shalt  }
0x4a: {  	_ =	shalt  }
0x4b: {  	_ =	shalt  }
0x4c: {  	_ =	shalt  }
0x4d: {  	_ =	shalt  }
0x4e: {  	_ =	shalt  }
0x4f: {  	_ =	shalt  }
0x50: {  	_ =	shalt  }
0x51: {  	_ =	shalt  }
0x52: {  	_ =	shalt  }
0x53: {  	_ =	shalt  }
0x54: {  	_ =	shalt  }
0x55: {  	_ =	shalt  }
0x56: {  	_ =	shalt  }
0x57: {  	_ =	shalt  }
0x58: {  	_ =	shalt  }
0x59: {  	_ =	shalt  }
0x5a: {  	_ =	shalt  }
0x5b: {  	_ =	shalt  }
0x5c: {  	_ =	shalt  }
0x5d: {  	_ =	shalt  }
0x5e: {  	_ =	shalt  }
0x5f: {  	_ =	shalt  }
0x60: {  	_ =	shalt  }
0x61: {  	_ =	shalt  }
0x62: {  	_ =	shalt  }
0x63: {  	_ =	shalt  }
0x64: {  	_ =	shalt  }
0x65: {  	_ =	shalt  }
0x66: {  	_ =	shalt  }
0x67: {  	_ =	shalt  }
0x68: {  	_ =	shalt  }
0x69: {  	_ =	shalt  }
0x6a: {  	_ =	shalt  }
0x6b: {  	_ =	shalt  }
0x6c: {  	_ =	shalt  }
0x6d: {  	_ =	shalt  }
0x6e: {  	_ =	shalt  }
0x6f: {  	_ =	shalt  }
0x70: {  	_ =	shalt  }
0x71: {  	_ =	shalt  }
0x72: {  	_ =	shalt  }
0x73: {  	_ =	shalt  }
0x74: {  	_ =	shalt  }
0x75: {  	_ =	shalt  }
0x76: {  	_ =	shalt  }
0x77: {  	_ =	shalt  }
0x78: {  	_ =	shalt  }
0x79: {  	_ =	shalt  }
0x7a: {  	_ =	shalt  }
0x7b: {  	_ =	shalt  }
0x7c: {  	_ =	shalt  }
0x7d: {  	_ =	shalt  }
0x7e: {  	_ =	shalt  }
0x7f: {  	_ =	shalt  }
0x80: {  	_ =	shalt  }
0x81: {  	_ =	shalt  }
0x82: {  	_ =	shalt  }
0x83: {  	_ =	shalt  }
0x84: {  	_ =	shalt  }
0x85: {  	_ =	shalt  }
0x86: {  	_ =	shalt  }
0x87: {  	_ =	shalt  }
.Lfunc_end0:
.L_simem_size_0:
called_computation_lowered:
.L_overlay_start_0:
0x88: {  	s2 =	sld [smem:$0x3FD9]  }
0x89: {  	s3 =	sld [smem:$0x3FFE];
	_ =	sdelay $0x1  }
0x8a: {  	s1 =	srdreg.scid  }
0x8b: {  	s0 =	sand.u32 $0x1, s1  }
0x8c: {  	s17 =	sshll.u32 s0, $0xA;
	s2 =	sadd.s32 s3, s2  }
0x8d: {  	s2 =	sadd.s32 s2, s17  }
0x8e: {  	[smem:$0x3FC6] =	sst s2  }
0x8f: {  	_ = 	snop  }
0x90: {  	s2 =	sld [smem:$0x3FD0];
	(tm) =	ssettm $0x1  }
0x91: {  	s18 =	sld [smem:$0x3FFB];
	_ =	sdelay $0x3  }
0x92: {  	_ =	strace s18  }
0x93: {  	s3 =	sld [smem:$0x3FFC];
	_ =	sdelay $0x3  }
0x94: {  	_ =	strace s3  }
0x95: {  	s3 =	sld [smem:$0x3FFD];
	_ =	sdelay $0x3  }
0x96: {  	_ =	strace s3  }
0x97: {  	_ =	strace $0x8FFFFFFF  }
0x98: {  	s19 =	sld [smem:$0x3FDB];
	_ =	sdelay $0x1  }
0x99: {  	s4 =	simm.s32 $_scs_section_size  }
0x9a: {  	s5 =	simm.s32 $_size__tile_overlayer_lowered;
	s6 =	simm.s32 $_tile_overlayer_lowered  }
0x9b: {  	s22 =	simm.s32 $0x1BFF;
	s21 =	sshll.u32 s6, $0x1;
	s3 =	sadd.s32 s4, s19  }
0x9c: {  	s7 =	simm.s32 $0x0;
	s20 =	sshll.u32 s5, $0x1;
	s5 =	sadd.s32 s21, s3  }
0x9d: {  	[timem:s7], [sflag:s22] =	dma.local [hbm:s5], s20  }
0x9e: {  	_ =	swait.ge [sflag:s22], s20  }
0x9f: {  	s4 =	ssub.s32 $0x0, s20;
	[sflag:s22] =	ssyncset.done $0x0  }
0xa0: {  	[sflag:s22] =	ssyncadd.s32 s4;
	_ =	sdelay $0x1  }
0xa1: {  	s23 =	simm.s32 $0x1B8B  }
0xa2: {  	_ =	swait.ge [sflag:s23], $0x1  }
0xa3: {  	[sflag:s23] =	ssyncset.done $0x0  }
0xa4: {  	s25 =	simm.s32 $0x1B8E;
	s24 =	sld [smem:$0x3FFE];
	[sflag:s23] =	ssyncadd.s32 $0xFFFFFFFF  }
0xa5: {  	s26 =	simm.s32 $execute0_lowered;
	[smem:$0x3FD2] =	sst s25  }
0xa6: {  	s5 =	sshll.u32 s26, $0x1;
	_ =	strace $0x80000046;
	[dreg:$0x1] =	wrdreg $0xFFFFFFFF  }
0xa7: {  	s28 =	simm.s32 $_size_execute0_lowered;
	s3 =	sadd.s32 s3, s5;
	[dreg:$0x0] =	wrdreg $0x0  }
0xa8: {  	s5 =	sshll.u32 s28, $0x1;
	[dreg:$0x2] =	wrdreg s3  }
0xa9: {  	[dreg:$0x3] =	wrdreg s5  }
0xaa: {  	[dreg:$0x4] =	wrdreg $0xC0  }
0xab: {  	_ =	task [dreg:s7], $0x5FFFF  }
0xac: {  	[dreg:$0x1] =	wrdreg $0xFFFFFFFF  }
0xad: {  	[dreg:$0x0] =	wrdreg $0x60  }
0xae: {  	[dreg:$0x2] =	wrdreg s24  }
0xaf: {  	[dreg:$0x3] =	wrdreg s2  }
0xb0: {  	[dreg:$0x4] =	wrdreg $0x9  }
0xb1: {  	_ =	task.clear_ibuf [dreg:s7], $0x5FFFF;
	_ =	strace $0x90000046  }
0xb2: {  	s29 =	simm.s32 $0x9;
	_ =	strace $0x80000048  }
0xb3: {  	_ =	swait.ge [sflag:s29], $0x1  }
0xb4: {  	[sflag:s29] =	ssyncadd.s32 $0xFFFFFFFF  }
0xb5: {  	_ =	strace $0x90000048  }
0xb6: {  	_ =	sfence  }
0xb7: {  	s30 =	sld [smem:$0x0];
	_ =	sdelay $0x2  }
0xb8: {  	s31 =	sshll.u32 s1, $0xD;
	s1 =	sshrl.u32 s1, $0x2  }
0xb9: {  	s3 =	sand.u32 $0x4000, s31;
	s1 =	sadd.s32 s1, s30  }
0xba: {  	s0 =	sor.u32 s3, s0;
	s1 =	sshll.u32 s1, $0x11  }
0xbb: {  	s0 =	sor.u32 s1, s0  }
0xbc: {  	s0 =	sadd.s32 $0x8F2B, s0  }
0xbd: {  	[sflag:s0] =	ssyncadd.remote.s32 $0x1  }
0xbe: {  	_ =	sfence.sel $0xFFFF  }
0xbf: {  	[dreg:$0x0] =	wrdreg $0xFFFFFFFF;
	(pc) =	sbr.abs _section_cstart, $3  }
0xc0: {  	[dreg:$0x1] =	wrdreg $0xFFFFFFFF  }
0xc1: {  	_ =	task.clear_ibuf [dreg:s7], $0x2FFFF;
	_ =	strace $0x9FFFFFFF  }
0xc2: {  	(tm) =	ssettm $0x7FFFFFFF  }
0xc3: {  	_ =	shalt  }
tec
execute0_lowered:
.L_overlay_start_1:
0x0: {  	(tag) =	ssettag $0x1  }
0x1: {  	s3 =	rddreg [dreg:$0x0];
	s0 =	srdreg.scid  }
0x2: {  	s11 =	rddreg [dreg:$0x1];
	s1 =	stileid.u32;
	s2 =	simm.s32 $0x0  }
0x3: {  	s14 =	simm.s32 $0x20000;
	s15 =	simm.s32 $0x8000;
	s16 =	simm.s32 $0x1  }
0x4: {  	s17 =	simm.s32 $0x2;
	s18 =	simm.s32 $0x10000;
	s19 =	simm.s32 $0x3  }
0x5: {  	s20 =	simm.s32 $0x0;
	s4 =	sand.u32 $0x1, s0;
	s0 =	rddreg [dreg:$0x2]  }
0x6: {  	s5 =	sshll.u32 s1, $0xA;
	s6 =	sshll.u32 s4, $0x9;
	s4 =	ssub.s32 $0x2, s4  }
0x7: {  	[smem:$0x7FF] =	sst s2;
	s9 =	sor.u32 s6, s5;
	s31 =	sshrl.u32 s4, $0x1  }
0x8: {  	_ =	strace $0x80000047;
	s10 =	sadd.s32 s9, s3;
	s12 =	ssub.s32 s4, s31  }
0x9: {  	s13 =	sshrl.u32 s9, $0x3;
	s3 =	sadd.s32 $0x600, s10;
	s4 =	sadd.s32 $0x80600, s10  }
0xa: {  	s5 =	sadd.s32 $0x680, s10;
	s6 =	sadd.s32 $0x80680, s10;
	s7 =	sadd.s32 $0x700, s10  }
0xb: {  	s8 =	sadd.s32 $0x80700, s10;
	s9 =	sadd.s32 $0x780, s10;
	s10 =	sadd.s32 $0x80780, s10  }
0xc: {  	s11 =	sadd.s32 s11, s13;
	s12 =	smax.u32 s12, $0x1;
	s13 =	simm.s32 $0x400  }
.LBB2_1:
0xd: {  	[tilespmem:s2], [sflag:$0x1] =	stream.strided.gather [hbm4b:s3+s13], $0x8000, s14, s13, $0x38;
	[tilespmem:$0x10200] =	vst v63  }
0xe: {  	_ = 	snop  }
0xf: {  	[tilespmem:s15], [sflag:$0x2] =	stream.strided.gather [hbm4b:s4+s13], $0x8000, s14, s13, $0x38;
	[tilespmem:$0x10200] =	vst v63  }
0x10: {  	_ =	swait.ge [sflag:s16], $0x8000  }
0x11: {  	[sflag:s16] =	ssyncset.done $0x0  }
0x12: {  	s22 =	simm.s32 $0x40;
	[sflag:s16] =	ssyncadd.s32 $0xFFFF8000  }
0x13: {  	v2 =	vld [tilespmem:s22+$0xFFFFFFC0]  }
0x14: {  	v4 =	vld [tilespmem:s22+$0xFFFFFFD0]  }
0x15: {  	v6 =	vld [tilespmem:s22+$0xFFFFFFE0]  }
0x16: {  	v7 =	vld [tilespmem:s22+$0xFFFFFFF0]  }
0x17: {  	v8 =	vld [tilespmem:s22+$0x0]  }
0x18: {  	v10 =	vld [tilespmem:s22+$0x10]  }
0x19: {  	v11 =	vld [tilespmem:s22+$0x20];
	_ =	sdelay $0x1  }
0x1a: {  	v12 =	vimm.f32 $+Inf;
	s31 =	simm.s32 $0xC0;
	v13 =	vld [tilespmem:s22+$0x30]  }
0x1b: {  	v0 =	vimm.f32 $0.0e+00;
	v22 =	vld [tilespmem:s31+$0xFFFFFFC0];
	vm0 =	vlt.f32 v2, v12;
	vm1 =	vlt.f32 v4, v12  }
0x1c: {  	s21 =	scvt.s32.f32 s2;
	v1 =	vld [tilespmem:s31+$0xFFFFFFD0];
	vm2 =	vlt.f32 v6, v12;
	vm3 =	vlt.f32 v7, v12;
	vm4 =	vlt.f32 v8, v12  }
0x1d: {  	v23 =	vld [tilespmem:s31+$0xFFFFFFE0];
	vm5 =	vlt.f32 v10, v12;
	vm6 =	vlt.f32 v11, v12;
	v3 =	vsel vm0, v2, v12  }
0x1e: {  	v16 =	vld [tilespmem:s31+$0x0];
	v5 =	vsel vm0, s21, v0;
	v4 =	vsel vm1, v4, v12;
	v6 =	vsel vm2, v6, v12  }
0x1f: {  	v9 =	vld [tilespmem:s31+$0x10];
	v7 =	vsel vm3, v7, v12;
	v8 =	vsel vm4, v8, v12;
	vm0 =	vlt.f32 v13, v12  }
0x20: {  	v2 =	vld [tilespmem:s31+$0xFFFFFFF0];
	v10 =	vsel vm5, v10, v12;
	v11 =	vsel vm6, v11, v12;
	v14 =	vsel vm2, s21, v0  }
0x21: {  	s23 =	simm.s32 $0x1;
	v20 =	vld [tilespmem:s31+$0x20];
	v15 =	vsel vm3, s21, v0;
	v17 =	vsel vm4, s21, v0;
	v18 =	vsel vm5, s21, v0  }
0x22: {  	s24 =	simm.s32 $0x2;
	s23 =	scvt.s32.f32 s23;
	v21 =	vld [tilespmem:s31+$0x30];
	s22 =	simm.s32 $0x140;
	v19 =	vsel vm6, s21, v0;
	v12 =	vsel vm0, v13, v12;
	v13 =	vsel vm1, s21, v0  }
.LBB2_2:
0x23: {  	v24 =	vld [tilespmem:s22+$0xFFFFFFC0];
	p0 =	sne.s32 s24, $0xFF;
	vm1 =	vlt.f32 v22, v3;
	vm2 =	vlt.f32 v1, v4;
	v0 =	vsel vm0, s21, v0  }
0x24: {  	v3 =	vsel vm1, v22, v3;
	v5 =	vsel vm1, s23, v5;
	v4 =	vsel vm2, v1, v4;
	v1 =	vld [tilespmem:s22+$0xFFFFFFD0];
	s21 =	smov.u32 s23  }
0x25: {  	vm3 =	vlt.f32 v2, v7;
	vm1 =	vlt.f32 v23, v6;
	vm4 =	vlt.f32 v16, v8;
	v25 =	vld [tilespmem:s22+$0xFFFFFFE0]  }
.Ltmp0:
0x26: {  	v7 =	vsel vm3, v2, v7;
	v6 =	vsel vm1, v23, v6;
	v8 =	vsel vm4, v16, v8;
	v2 =	vld [tilespmem:s22+$0xFFFFFFF0];
	(pc) =	sbr.rel @p0 .LBB2_2-.Ltmp0, $4  }
0x27: {  	vm5 =	vlt.f32 v9, v10;
	vm6 =	vlt.f32 v20, v11;
	v16 =	vld [tilespmem:s22+$0x0];
	vm0 =	vlt.f32 v21, v12  }
0x28: {  	v10 =	vsel vm5, v9, v10;
	v11 =	vsel vm6, v20, v11;
	v9 =	vld [tilespmem:s22+$0x10];
	v12 =	vsel vm0, v21, v12;
	v22 =	vmovc v24  }
0x29: {  	v13 =	vsel vm2, s21, v13;
	v14 =	vsel vm1, s21, v14;
	v15 =	vsel vm3, s21, v15;
	v20 =	vld [tilespmem:s22+$0x20]  }
0x2a: {  	s23 =	scvt.s32.f32 s24;
	s24 =	sadd.s32 $0x1, s24;
	v17 =	vsel vm4, s21, v17;
	v18 =	vsel vm5, s21, v18;
	v19 =	vsel vm6, s21, v19;
	v21 =	vld [tilespmem:s22+$0x30];
	s22 =	sadd.s32 $0x80, s22;
	v23 =	vmovc v25  }
0x2b: {  	s22 =	simm.s32 $0x0  }
0x2c: {  	[tilespmem:s22], [sflag:$0x1] =	stream.strided.gather [hbm4b:s5+s13], $0x8000, s14, s13, $0x38;
	[tilespmem:$0x10200] =	vst v63  }
0x2d: {  	_ =	swait.ge [sflag:s17], $0x8000  }
0x2e: {  	[sflag:s17] =	ssyncset.done $0x0  }
0x2f: {  	s24 =	simm.s32 $0x0;
	[sflag:s17] =	ssyncadd.s32 $0xFFFF8000  }
0x30: {  	v25 =	vld [tilespmem:s24+$0x8000]  }
0x31: {  	vm1 =	vlt.f32 v22, v3;
	vm2 =	vlt.f32 v1, v4;
	v24 =	vsel vm0, s21, v0;
	v28 =	vld [tilespmem:s24+$0x8010]  }
0x32: {  	vm0 =	vlt.f32 v23, v6;
	v26 =	vsel vm1, v22, v3;
	v27 =	vsel vm1, s23, v5;
	v29 =	vld [tilespmem:s24+$0x8020]  }
0x33: {  	v4 =	vsel vm2, v1, v4;
	vm1 =	vlt.f32 v2, v7;
	vm3 =	vlt.f32 v16, v8;
	v30 =	vld [tilespmem:s24+$0x8030]  }
0x34: {  	v23 =	vsel vm0, v23, v6;
	v34 =	vsel vm2, s23, v13;
	v35 =	vsel vm0, s23, v14;
	v31 =	vld [tilespmem:s24+$0x8040]  }
0x35: {  	v7 =	vsel vm1, v2, v7;
	v8 =	vsel vm3, v16, v8;
	vm4 =	vlt.f32 v9, v10;
	v33 =	vld [tilespmem:s24+$0x8050]  }
0x36: {  	v36 =	vsel vm1, s23, v15;
	v3 =	vsel vm3, s23, v17;
	vm5 =	vlt.f32 v20, v11;
	v37 =	vld [tilespmem:s24+$0x8060]  }
0x37: {  	v32 =	vsel vm4, v9, v10;
	v2 =	vsel vm4, s23, v18;
	vm6 =	vlt.f32 v21, v12  }
0x38: {  	s22 =	simm.s32 $0x80;
	v20 =	vsel vm5, v20, v11;
	v0 =	vsel vm5, s23, v19;
	v21 =	vsel vm6, v21, v12;
	v17 =	vld [tilespmem:s24+$0x8070]  }
0x39: {  	s31 =	simm.s32 $0x100;
	v1 =	vsel vm6, s23, v24;
	v22 =	vld [tilespmem:s22+$0x8000];
	vm0 =	vlt.f32 v25, v26;
	vm4 =	vlt.f32 v28, v4  }
0x3a: {  	s21 =	scvt.s32.f32 s31;
	v5 =	vld [tilespmem:s22+$0x8010];
	vm5 =	vlt.f32 v29, v23;
	vm15 =	vlt.f32 v30, v7;
	vm1 =	vlt.f32 v31, v8  }
0x3b: {  	v19 =	vld [tilespmem:s22+$0x8020];
	vm3 =	vlt.f32 v33, v32;
	vm2 =	vlt.f32 v37, v20;
	v9 =	vsel vm0, v25, v26  }
0x3c: {  	v11 =	vld [tilespmem:s22+$0x8030];
	v6 =	vsel vm0, s21, v27;
	v10 =	vsel vm4, v28, v4;
	v16 =	vsel vm5, v29, v23  }
0x3d: {  	v15 =	vld [tilespmem:s22+$0x8040];
	v14 =	vsel vm15, v30, v7;
	v8 =	vsel vm1, v31, v8;
	vm0 =	vlt.f32 v17, v21  }
0x3e: {  	v12 =	vld [tilespmem:s22+$0x8050];
	v13 =	vsel vm3, v33, v32;
	v7 =	vsel vm2, v37, v20;
	v20 =	vsel vm5, s21, v35  }
0x3f: {  	s23 =	simm.s32 $0x400;
	s24 =	simm.s32 $0x101;
	v18 =	vsel vm15, s21, v36;
	v4 =	vsel vm0, v17, v21;
	v17 =	vld [tilespmem:s22+$0x8060];
	v21 =	vsel vm4, s21, v34  }
.LBB2_4:
0x40: {  	p0 =	sne.s32 s23, $0x1FE00;
	s25 =	scvt.s32.f32 s24;
	v23 =	vld [tilespmem:s22+$0x8070];
	s22 =	sshra.s32 s23, $0x2;
	v3 =	vsel vm1, s21, v3;
	v2 =	vsel vm3, s21, v2;
	v0 =	vsel vm2, s21, v0;
	v24 =	vmovc v19  }
0x41: {  	vm1 =	vlt.f32 v22, v9;
	vm4 =	vlt.f32 v5, v10;
	v1 =	vsel vm0, s21, v1;
	v25 =	vld [tilespmem:s22+$0x8000]  }
0x42: {  	v9 =	vsel vm1, v22, v9;
	v10 =	vsel vm4, v5, v10;
	v6 =	vsel vm1, s25, v6;
	v5 =	vld [tilespmem:s22+$0x8010];
	s21 =	smov.u32 s25  }
.Ltmp1:
0x43: {  	vm5 =	vlt.f32 v24, v16;
	vm6 =	vlt.f32 v11, v14;
	vm1 =	vlt.f32 v15, v8;
	v19 =	vld [tilespmem:s22+$0x8020];
	(pc) =	sbr.rel @p0 .LBB2_4-.Ltmp1, $4  }
0x44: {  	v16 =	vsel vm5, v24, v16;
	v14 =	vsel vm6, v11, v14;
	v8 =	vsel vm1, v15, v8;
	v11 =	vld [tilespmem:s22+$0x8030]  }
0x45: {  	vm3 =	vlt.f32 v12, v13;
	vm2 =	vlt.f32 v17, v7;
	v15 =	vld [tilespmem:s22+$0x8040];
	vm0 =	vlt.f32 v23, v4  }
0x46: {  	v13 =	vsel vm3, v12, v13;
	v7 =	vsel vm2, v17, v7;
	v12 =	vld [tilespmem:s22+$0x8050];
	v4 =	vsel vm0, v23, v4;
	v22 =	vmovc v25  }
0x47: {  	s23 =	sadd.s32 $0x200, s23;
	s24 =	sadd.s32 $0x1, s24;
	v21 =	vsel vm4, s21, v21;
	v20 =	vsel vm5, s21, v20;
	v18 =	vsel vm6, s21, v18;
	v17 =	vld [tilespmem:s22+$0x8060]  }
0x48: {  	s23 =	scvt.s32.f32 s24  }
0x49: {  	vm4 =	vlt.f32 v22, v9  }
0x4a: {  	vm5 =	vlt.f32 v5, v10;
	v5 =	vsel vm4, s23, v6  }
0x4b: {  	v9 =	vld [tilespmem:s22+$0x8070];
	vm12 =	vlt.f32 v19, v16;
	v6 =	vsel vm5, s23, v21;
	[tilespmem:$0x10000] =	vst v5  }
0x4c: {  	vm13 =	vlt.f32 v11, v14;
	v5 =	vsel vm12, s23, v20;
	[tilespmem:$0x10010] =	vst v6  }
0x4d: {  	v3 =	vsel vm1, s21, v3;
	vm1 =	vlt.f32 v15, v8;
	v6 =	vsel vm13, s23, v18;
	[tilespmem:$0x10020] =	vst v5  }
0x4e: {  	v2 =	vsel vm3, s21, v2;
	vm3 =	vlt.f32 v12, v13;
	v3 =	vsel vm1, s23, v3;
	[tilespmem:$0x10030] =	vst v6  }
0x4f: {  	v0 =	vsel vm2, s21, v0;
	vm1 =	vlt.f32 v17, v7;
	v2 =	vsel vm3, s23, v2;
	[tilespmem:$0x10040] =	vst v3  }
0x50: {  	v1 =	vsel vm0, s21, v1;
	vm0 =	vlt.f32 v9, v4;
	v0 =	vsel vm1, s23, v0;
	[tilespmem:$0x10050] =	vst v2  }
0x51: {  	v1 =	vsel vm0, s23, v1;
	[tilespmem:$0x10060] =	vst v0  }
0x52: {  	[tilespmem:$0x10070] =	vst v1  }
0x53: {  	[tilespmem:s15], [sflag:$0x2] =	stream.strided.gather [hbm4b:s6+s13], $0x8000, s14, s13, $0x38;
	[tilespmem:$0x10200] =	vst v63  }
0x54: {  	_ =	swait.ge [sflag:s16], $0x8000  }
0x55: {  	[sflag:s16] =	ssyncset.done $0x0  }
0x56: {  	s28 =	simm.s32 $0x40;
	[sflag:s16] =	ssyncadd.s32 $0xFFFF8000  }
0x57: {  	v2 =	vld [tilespmem:s28+$0xFFFFFFC0]  }
0x58: {  	v4 =	vld [tilespmem:s28+$0xFFFFFFD0]  }
0x59: {  	v6 =	vld [tilespmem:s28+$0xFFFFFFE0]  }
0x5a: {  	v7 =	vld [tilespmem:s28+$0xFFFFFFF0]  }
0x5b: {  	v8 =	vld [tilespmem:s28+$0x0]  }
0x5c: {  	v10 =	vld [tilespmem:s28+$0x10]  }
0x5d: {  	v11 =	vld [tilespmem:s28+$0x20];
	_ =	sdelay $0x1  }
0x5e: {  	s30 =	simm.s32 $0xC0;
	v12 =	vimm.f32 $+Inf;
	v13 =	vld [tilespmem:s28+$0x30]  }
0x5f: {  	s29 =	simm.s32 $0x0;
	v0 =	vimm.f32 $0.0e+00;
	v22 =	vld [tilespmem:s30+$0xFFFFFFC0];
	vm0 =	vlt.f32 v2, v12;
	vm1 =	vlt.f32 v4, v12  }
0x60: {  	s21 =	scvt.s32.f32 s29;
	v1 =	vld [tilespmem:s30+$0xFFFFFFD0];
	vm2 =	vlt.f32 v6, v12;
	vm3 =	vlt.f32 v7, v12;
	vm14 =	vlt.f32 v8, v12  }
0x61: {  	v23 =	vld [tilespmem:s30+$0xFFFFFFE0];
	vm15 =	vlt.f32 v10, v12;
	vm6 =	vlt.f32 v11, v12;
	v3 =	vsel vm0, v2, v12  }
0x62: {  	v16 =	vld [tilespmem:s30+$0x0];
	v5 =	vsel vm0, s21, v0;
	v4 =	vsel vm1, v4, v12;
	v6 =	vsel vm2, v6, v12  }
0x63: {  	v9 =	vld [tilespmem:s30+$0x10];
	v7 =	vsel vm3, v7, v12;
	v8 =	vsel vm14, v8, v12;
	vm0 =	vlt.f32 v13, v12  }
0x64: {  	v2 =	vld [tilespmem:s30+$0xFFFFFFF0];
	v10 =	vsel vm15, v10, v12;
	v11 =	vsel vm6, v11, v12;
	v14 =	vsel vm2, s21, v0  }
0x65: {  	s31 =	simm.s32 $0x1;
	v20 =	vld [tilespmem:s30+$0x20];
	v15 =	vsel vm3, s21, v0;
	v17 =	vsel vm14, s21, v0;
	v18 =	vsel vm15, s21, v0  }
0x66: {  	s22 =	simm.s32 $0x140;
	s24 =	simm.s32 $0x2;
	s23 =	scvt.s32.f32 s31;
	v21 =	vld [tilespmem:s30+$0x30];
	v19 =	vsel vm6, s21, v0;
	v12 =	vsel vm0, v13, v12;
	v13 =	vsel vm1, s21, v0  }
.LBB2_6:
0x67: {  	v24 =	vld [tilespmem:s22+$0xFFFFFFC0];
	p0 =	sne.s32 s24, $0xFF;
	vm1 =	vlt.f32 v22, v3;
	vm2 =	vlt.f32 v1, v4;
	v0 =	vsel vm0, s21, v0  }
0x68: {  	v3 =	vsel vm1, v22, v3;
	v5 =	vsel vm1, s23, v5;
	v4 =	vsel vm2, v1, v4;
	v1 =	vld [tilespmem:s22+$0xFFFFFFD0];
	s21 =	smov.u32 s23  }
0x69: {  	vm3 =	vlt.f32 v2, v7;
	vm1 =	vlt.f32 v23, v6;
	vm4 =	vlt.f32 v16, v8;
	v25 =	vld [tilespmem:s22+$0xFFFFFFE0]  }
.Ltmp2:
0x6a: {  	v7 =	vsel vm3, v2, v7;
	v6 =	vsel vm1, v23, v6;
	v8 =	vsel vm4, v16, v8;
	v2 =	vld [tilespmem:s22+$0xFFFFFFF0];
	(pc) =	sbr.rel @p0 .LBB2_6-.Ltmp2, $4  }
0x6b: {  	vm5 =	vlt.f32 v9, v10;
	vm6 =	vlt.f32 v20, v11;
	v16 =	vld [tilespmem:s22+$0x0];
	vm0 =	vlt.f32 v21, v12  }
0x6c: {  	v10 =	vsel vm5, v9, v10;
	v11 =	vsel vm6, v20, v11;
	v9 =	vld [tilespmem:s22+$0x10];
	v12 =	vsel vm0, v21, v12;
	v22 =	vmovc v24  }
0x6d: {  	v13 =	vsel vm2, s21, v13;
	v14 =	vsel vm1, s21, v14;
	v15 =	vsel vm3, s21, v15;
	v20 =	vld [tilespmem:s22+$0x20]  }
0x6e: {  	s23 =	scvt.s32.f32 s24;
	s24 =	sadd.s32 $0x1, s24;
	v17 =	vsel vm4, s21, v17;
	v18 =	vsel vm5, s21, v18;
	v19 =	vsel vm6, s21, v19;
	v21 =	vld [tilespmem:s22+$0x30];
	s22 =	sadd.s32 $0x80, s22;
	v23 =	vmovc v25  }
0x6f: {  	s22 =	simm.s32 $0x0  }
0x70: {  	[tilespmem:s22], [sflag:$0x1] =	stream.strided.gather [hbm4b:s7+s13], $0x8000, s14, s13, $0x38;
	[tilespmem:$0x10200] =	vst v63  }
0x71: {  	_ =	swait.ge [sflag:s17], $0x8000  }
0x72: {  	[sflag:s17] =	ssyncset.done $0x0  }
0x73: {  	s24 =	simm.s32 $0x0;
	[sflag:s17] =	ssyncadd.s32 $0xFFFF8000  }
0x74: {  	v25 =	vld [tilespmem:s24+$0x8000]  }
0x75: {  	vm1 =	vlt.f32 v22, v3;
	vm2 =	vlt.f32 v1, v4;
	v24 =	vsel vm0, s21, v0;
	v28 =	vld [tilespmem:s24+$0x8010]  }
0x76: {  	vm0 =	vlt.f32 v23, v6;
	v26 =	vsel vm1, v22, v3;
	v27 =	vsel vm1, s23, v5;
	v29 =	vld [tilespmem:s24+$0x8020]  }
0x77: {  	v4 =	vsel vm2, v1, v4;
	vm1 =	vlt.f32 v2, v7;
	vm3 =	vlt.f32 v16, v8;
	v30 =	vld [tilespmem:s24+$0x8030]  }
0x78: {  	v23 =	vsel vm0, v23, v6;
	v34 =	vsel vm2, s23, v13;
	v35 =	vsel vm0, s23, v14;
	v31 =	vld [tilespmem:s24+$0x8040]  }
0x79: {  	v7 =	vsel vm1, v2, v7;
	v8 =	vsel vm3, v16, v8;
	vm4 =	vlt.f32 v9, v10;
	v33 =	vld [tilespmem:s24+$0x8050]  }
0x7a: {  	v36 =	vsel vm1, s23, v15;
	v3 =	vsel vm3, s23, v17;
	vm5 =	vlt.f32 v20, v11;
	v37 =	vld [tilespmem:s24+$0x8060]  }
0x7b: {  	v32 =	vsel vm4, v9, v10;
	v2 =	vsel vm4, s23, v18;
	vm6 =	vlt.f32 v21, v12  }
0x7c: {  	s22 =	simm.s32 $0x80;
	v20 =	vsel vm5, v20, v11;
	v0 =	vsel vm5, s23, v19;
	v21 =	vsel vm6, v21, v12;
	v17 =	vld [tilespmem:s24+$0x8070]  }
0x7d: {  	s31 =	simm.s32 $0x100;
	v1 =	vsel vm6, s23, v24;
	v22 =	vld [tilespmem:s22+$0x8000];
	vm0 =	vlt.f32 v25, v26;
	vm4 =	vlt.f32 v28, v4  }
0x7e: {  	s21 =	scvt.s32.f32 s31;
	v5 =	vld [tilespmem:s22+$0x8010];
	vm5 =	vlt.f32 v29, v23;
	vm15 =	vlt.f32 v30, v7;
	vm1 =	vlt.f32 v31, v8  }
0x7f: {  	v19 =	vld [tilespmem:s22+$0x8020];
	vm3 =	vlt.f32 v33, v32;
	vm2 =	vlt.f32 v37, v20;
	v9 =	vsel vm0, v25, v26  }
0x80: {  	v11 =	vld [tilespmem:s22+$0x8030];
	v6 =	vsel vm0, s21, v27;
	v10 =	vsel vm4, v28, v4;
	v16 =	vsel vm5, v29, v23  }
0x81: {  	v15 =	vld [tilespmem:s22+$0x8040];
	v14 =	vsel vm15, v30, v7;
	v8 =	vsel vm1, v31, v8;
	vm0 =	vlt.f32 v17, v21  }
0x82: {  	v12 =	vld [tilespmem:s22+$0x8050];
	v13 =	vsel vm3, v33, v32;
	v7 =	vsel vm2, v37, v20;
	v20 =	vsel vm5, s21, v35  }
0x83: {  	s23 =	simm.s32 $0x400;
	s24 =	simm.s32 $0x101;
	v18 =	vsel vm15, s21, v36;
	v4 =	vsel vm0, v17, v21;
	v17 =	vld [tilespmem:s22+$0x8060];
	v21 =	vsel vm4, s21, v34  }
.LBB2_8:
0x84: {  	p0 =	sne.s32 s23, $0x1FE00;
	s25 =	scvt.s32.f32 s24;
	v23 =	vld [tilespmem:s22+$0x8070];
	s22 =	sshra.s32 s23, $0x2;
	v3 =	vsel vm1, s21, v3;
	v2 =	vsel vm3, s21, v2;
	v0 =	vsel vm2, s21, v0;
	v24 =	vmovc v19  }
0x85: {  	vm1 =	vlt.f32 v22, v9;
	vm4 =	vlt.f32 v5, v10;
	v1 =	vsel vm0, s21, v1;
	v25 =	vld [tilespmem:s22+$0x8000]  }
0x86: {  	v9 =	vsel vm1, v22, v9;
	v10 =	vsel vm4, v5, v10;
	v6 =	vsel vm1, s25, v6;
	v5 =	vld [tilespmem:s22+$0x8010];
	s21 =	smov.u32 s25  }
.Ltmp3:
0x87: {  	vm5 =	vlt.f32 v24, v16;
	vm6 =	vlt.f32 v11, v14;
	vm1 =	vlt.f32 v15, v8;
	v19 =	vld [tilespmem:s22+$0x8020];
	(pc) =	sbr.rel @p0 .LBB2_8-.Ltmp3, $4  }
0x88: {  	v16 =	vsel vm5, v24, v16;
	v14 =	vsel vm6, v11, v14;
	v8 =	vsel vm1, v15, v8;
	v11 =	vld [tilespmem:s22+$0x8030]  }
0x89: {  	vm3 =	vlt.f32 v12, v13;
	vm2 =	vlt.f32 v17, v7;
	v15 =	vld [tilespmem:s22+$0x8040];
	vm0 =	vlt.f32 v23, v4  }
0x8a: {  	v13 =	vsel vm3, v12, v13;
	v7 =	vsel vm2, v17, v7;
	v12 =	vld [tilespmem:s22+$0x8050];
	v4 =	vsel vm0, v23, v4;
	v22 =	vmovc v25  }
0x8b: {  	s23 =	sadd.s32 $0x200, s23;
	s24 =	sadd.s32 $0x1, s24;
	v21 =	vsel vm4, s21, v21;
	v20 =	vsel vm5, s21, v20;
	v18 =	vsel vm6, s21, v18;
	v17 =	vld [tilespmem:s22+$0x8060]  }
0x8c: {  	s23 =	scvt.s32.f32 s24  }
0x8d: {  	vm4 =	vlt.f32 v22, v9  }
0x8e: {  	vm5 =	vlt.f32 v5, v10;
	v5 =	vsel vm4, s23, v6  }
0x8f: {  	v9 =	vld [tilespmem:s22+$0x8070];
	vm12 =	vlt.f32 v19, v16;
	v6 =	vsel vm5, s23, v21;
	[tilespmem:$0x10080] =	vst v5  }
0x90: {  	vm13 =	vlt.f32 v11, v14;
	v5 =	vsel vm12, s23, v20;
	[tilespmem:$0x10090] =	vst v6  }
0x91: {  	v3 =	vsel vm1, s21, v3;
	vm1 =	vlt.f32 v15, v8;
	v6 =	vsel vm13, s23, v18;
	[tilespmem:$0x100A0] =	vst v5  }
0x92: {  	v2 =	vsel vm3, s21, v2;
	vm3 =	vlt.f32 v12, v13;
	v3 =	vsel vm1, s23, v3;
	[tilespmem:$0x100B0] =	vst v6  }
0x93: {  	v0 =	vsel vm2, s21, v0;
	vm1 =	vlt.f32 v17, v7;
	v2 =	vsel vm3, s23, v2;
	[tilespmem:$0x100C0] =	vst v3  }
0x94: {  	v1 =	vsel vm0, s21, v1;
	vm0 =	vlt.f32 v9, v4;
	v0 =	vsel vm1, s23, v0;
	[tilespmem:$0x100D0] =	vst v2  }
0x95: {  	v1 =	vsel vm0, s23, v1;
	[tilespmem:$0x100E0] =	vst v0  }
0x96: {  	[tilespmem:$0x100F0] =	vst v1  }
0x97: {  	[tilespmem:s15], [sflag:$0x2] =	stream.strided.gather [hbm4b:s8+s13], $0x8000, s14, s13, $0x38;
	[tilespmem:$0x10200] =	vst v63  }
0x98: {  	_ =	swait.ge [sflag:s16], $0x8000  }
0x99: {  	[sflag:s16] =	ssyncset.done $0x0  }
0x9a: {  	s28 =	simm.s32 $0x40;
	[sflag:s16] =	ssyncadd.s32 $0xFFFF8000  }
0x9b: {  	v2 =	vld [tilespmem:s28+$0xFFFFFFC0]  }
0x9c: {  	v4 =	vld [tilespmem:s28+$0xFFFFFFD0]  }
0x9d: {  	v6 =	vld [tilespmem:s28+$0xFFFFFFE0]  }
0x9e: {  	v7 =	vld [tilespmem:s28+$0xFFFFFFF0]  }
0x9f: {  	v8 =	vld [tilespmem:s28+$0x0]  }
0xa0: {  	v10 =	vld [tilespmem:s28+$0x10]  }
0xa1: {  	v11 =	vld [tilespmem:s28+$0x20];
	_ =	sdelay $0x1  }
0xa2: {  	s30 =	simm.s32 $0xC0;
	v12 =	vimm.f32 $+Inf;
	v13 =	vld [tilespmem:s28+$0x30]  }
0xa3: {  	s29 =	simm.s32 $0x0;
	v0 =	vimm.f32 $0.0e+00;
	v22 =	vld [tilespmem:s30+$0xFFFFFFC0];
	vm0 =	vlt.f32 v2, v12;
	vm1 =	vlt.f32 v4, v12  }
0xa4: {  	s21 =	scvt.s32.f32 s29;
	v1 =	vld [tilespmem:s30+$0xFFFFFFD0];
	vm2 =	vlt.f32 v6, v12;
	vm3 =	vlt.f32 v7, v12;
	vm14 =	vlt.f32 v8, v12  }
0xa5: {  	v23 =	vld [tilespmem:s30+$0xFFFFFFE0];
	vm15 =	vlt.f32 v10, v12;
	vm6 =	vlt.f32 v11, v12;
	v3 =	vsel vm0, v2, v12  }
0xa6: {  	v16 =	vld [tilespmem:s30+$0x0];
	v5 =	vsel vm0, s21, v0;
	v4 =	vsel vm1, v4, v12;
	v6 =	vsel vm2, v6, v12  }
0xa7: {  	v9 =	vld [tilespmem:s30+$0x10];
	v7 =	vsel vm3, v7, v12;
	v8 =	vsel vm14, v8, v12;
	vm0 =	vlt.f32 v13, v12  }
0xa8: {  	v2 =	vld [tilespmem:s30+$0xFFFFFFF0];
	v10 =	vsel vm15, v10, v12;
	v11 =	vsel vm6, v11, v12;
	v14 =	vsel vm2, s21, v0  }
0xa9: {  	s31 =	simm.s32 $0x1;
	v20 =	vld [tilespmem:s30+$0x20];
	v15 =	vsel vm3, s21, v0;
	v17 =	vsel vm14, s21, v0;
	v18 =	vsel vm15, s21, v0  }
0xaa: {  	s22 =	simm.s32 $0x140;
	s24 =	simm.s32 $0x2;
	s23 =	scvt.s32.f32 s31;
	v21 =	vld [tilespmem:s30+$0x30];
	v19 =	vsel vm6, s21, v0;
	v12 =	vsel vm0, v13, v12;
	v13 =	vsel vm1, s21, v0  }
.LBB2_10:
0xab: {  	v24 =	vld [tilespmem:s22+$0xFFFFFFC0];
	p0 =	sne.s32 s24, $0xFF;
	vm1 =	vlt.f32 v22, v3;
	vm2 =	vlt.f32 v1, v4;
	v0 =	vsel vm0, s21, v0  }
0xac: {  	v3 =	vsel vm1, v22, v3;
	v5 =	vsel vm1, s23, v5;
	v4 =	vsel vm2, v1, v4;
	v1 =	vld [tilespmem:s22+$0xFFFFFFD0];
	s21 =	smov.u32 s23  }
0xad: {  	vm3 =	vlt.f32 v2, v7;
	vm1 =	vlt.f32 v23, v6;
	vm4 =	vlt.f32 v16, v8;
	v25 =	vld [tilespmem:s22+$0xFFFFFFE0]  }
.Ltmp4:
0xae: {  	v7 =	vsel vm3, v2, v7;
	v6 =	vsel vm1, v23, v6;
	v8 =	vsel vm4, v16, v8;
	v2 =	vld [tilespmem:s22+$0xFFFFFFF0];
	(pc) =	sbr.rel @p0 .LBB2_10-.Ltmp4, $4  }
0xaf: {  	vm5 =	vlt.f32 v9, v10;
	vm6 =	vlt.f32 v20, v11;
	v16 =	vld [tilespmem:s22+$0x0];
	vm0 =	vlt.f32 v21, v12  }
0xb0: {  	v10 =	vsel vm5, v9, v10;
	v11 =	vsel vm6, v20, v11;
	v9 =	vld [tilespmem:s22+$0x10];
	v12 =	vsel vm0, v21, v12;
	v22 =	vmovc v24  }
0xb1: {  	v13 =	vsel vm2, s21, v13;
	v14 =	vsel vm1, s21, v14;
	v15 =	vsel vm3, s21, v15;
	v20 =	vld [tilespmem:s22+$0x20]  }
0xb2: {  	s23 =	scvt.s32.f32 s24;
	s24 =	sadd.s32 $0x1, s24;
	v17 =	vsel vm4, s21, v17;
	v18 =	vsel vm5, s21, v18;
	v19 =	vsel vm6, s21, v19;
	v21 =	vld [tilespmem:s22+$0x30];
	s22 =	sadd.s32 $0x80, s22;
	v23 =	vmovc v25  }
0xb3: {  	s22 =	simm.s32 $0x0  }
0xb4: {  	[tilespmem:s22], [sflag:$0x1] =	stream.strided.gather [hbm4b:s9+s13], $0x8000, s14, s13, $0x38;
	[tilespmem:$0x10200] =	vst v63  }
0xb5: {  	_ =	swait.ge [sflag:s17], $0x8000  }
0xb6: {  	[sflag:s17] =	ssyncset.done $0x0  }
0xb7: {  	s24 =	simm.s32 $0x0;
	[sflag:s17] =	ssyncadd.s32 $0xFFFF8000  }
0xb8: {  	v25 =	vld [tilespmem:s24+$0x8000]  }
0xb9: {  	vm1 =	vlt.f32 v22, v3;
	vm2 =	vlt.f32 v1, v4;
	v24 =	vsel vm0, s21, v0;
	v28 =	vld [tilespmem:s24+$0x8010]  }
0xba: {  	vm0 =	vlt.f32 v23, v6;
	v26 =	vsel vm1, v22, v3;
	v27 =	vsel vm1, s23, v5;
	v29 =	vld [tilespmem:s24+$0x8020]  }
0xbb: {  	v4 =	vsel vm2, v1, v4;
	vm1 =	vlt.f32 v2, v7;
	vm3 =	vlt.f32 v16, v8;
	v30 =	vld [tilespmem:s24+$0x8030]  }
0xbc: {  	v23 =	vsel vm0, v23, v6;
	v34 =	vsel vm2, s23, v13;
	v35 =	vsel vm0, s23, v14;
	v31 =	vld [tilespmem:s24+$0x8040]  }
0xbd: {  	v7 =	vsel vm1, v2, v7;
	v8 =	vsel vm3, v16, v8;
	vm4 =	vlt.f32 v9, v10;
	v33 =	vld [tilespmem:s24+$0x8050]  }
0xbe: {  	v36 =	vsel vm1, s23, v15;
	v3 =	vsel vm3, s23, v17;
	vm5 =	vlt.f32 v20, v11;
	v37 =	vld [tilespmem:s24+$0x8060]  }
0xbf: {  	v32 =	vsel vm4, v9, v10;
	v2 =	vsel vm4, s23, v18;
	vm6 =	vlt.f32 v21, v12  }
0xc0: {  	s22 =	simm.s32 $0x80;
	v20 =	vsel vm5, v20, v11;
	v0 =	vsel vm5, s23, v19;
	v21 =	vsel vm6, v21, v12;
	v17 =	vld [tilespmem:s24+$0x8070]  }
0xc1: {  	s31 =	simm.s32 $0x100;
	v1 =	vsel vm6, s23, v24;
	v22 =	vld [tilespmem:s22+$0x8000];
	vm0 =	vlt.f32 v25, v26;
	vm4 =	vlt.f32 v28, v4  }
0xc2: {  	s21 =	scvt.s32.f32 s31;
	v5 =	vld [tilespmem:s22+$0x8010];
	vm5 =	vlt.f32 v29, v23;
	vm15 =	vlt.f32 v30, v7;
	vm1 =	vlt.f32 v31, v8  }
0xc3: {  	v19 =	vld [tilespmem:s22+$0x8020];
	vm3 =	vlt.f32 v33, v32;
	vm2 =	vlt.f32 v37, v20;
	v9 =	vsel vm0, v25, v26  }
0xc4: {  	v11 =	vld [tilespmem:s22+$0x8030];
	v6 =	vsel vm0, s21, v27;
	v10 =	vsel vm4, v28, v4;
	v16 =	vsel vm5, v29, v23  }
0xc5: {  	v15 =	vld [tilespmem:s22+$0x8040];
	v14 =	vsel vm15, v30, v7;
	v8 =	vsel vm1, v31, v8;
	vm0 =	vlt.f32 v17, v21  }
0xc6: {  	v12 =	vld [tilespmem:s22+$0x8050];
	v13 =	vsel vm3, v33, v32;
	v7 =	vsel vm2, v37, v20;
	v20 =	vsel vm5, s21, v35  }
0xc7: {  	s23 =	simm.s32 $0x400;
	s24 =	simm.s32 $0x101;
	v18 =	vsel vm15, s21, v36;
	v4 =	vsel vm0, v17, v21;
	v17 =	vld [tilespmem:s22+$0x8060];
	v21 =	vsel vm4, s21, v34  }
.LBB2_12:
0xc8: {  	p0 =	sne.s32 s23, $0x1FE00;
	s25 =	scvt.s32.f32 s24;
	v23 =	vld [tilespmem:s22+$0x8070];
	s22 =	sshra.s32 s23, $0x2;
	v3 =	vsel vm1, s21, v3;
	v2 =	vsel vm3, s21, v2;
	v0 =	vsel vm2, s21, v0;
	v24 =	vmovc v19  }
0xc9: {  	vm1 =	vlt.f32 v22, v9;
	vm4 =	vlt.f32 v5, v10;
	v1 =	vsel vm0, s21, v1;
	v25 =	vld [tilespmem:s22+$0x8000]  }
0xca: {  	v9 =	vsel vm1, v22, v9;
	v10 =	vsel vm4, v5, v10;
	v6 =	vsel vm1, s25, v6;
	v5 =	vld [tilespmem:s22+$0x8010];
	s21 =	smov.u32 s25  }
.Ltmp5:
0xcb: {  	vm5 =	vlt.f32 v24, v16;
	vm6 =	vlt.f32 v11, v14;
	vm1 =	vlt.f32 v15, v8;
	v19 =	vld [tilespmem:s22+$0x8020];
	(pc) =	sbr.rel @p0 .LBB2_12-.Ltmp5, $4  }
0xcc: {  	v16 =	vsel vm5, v24, v16;
	v14 =	vsel vm6, v11, v14;
	v8 =	vsel vm1, v15, v8;
	v11 =	vld [tilespmem:s22+$0x8030]  }
0xcd: {  	vm3 =	vlt.f32 v12, v13;
	vm2 =	vlt.f32 v17, v7;
	v15 =	vld [tilespmem:s22+$0x8040];
	vm0 =	vlt.f32 v23, v4  }
0xce: {  	v13 =	vsel vm3, v12, v13;
	v7 =	vsel vm2, v17, v7;
	v12 =	vld [tilespmem:s22+$0x8050];
	v4 =	vsel vm0, v23, v4;
	v22 =	vmovc v25  }
0xcf: {  	s23 =	sadd.s32 $0x200, s23;
	s24 =	sadd.s32 $0x1, s24;
	v21 =	vsel vm4, s21, v21;
	v20 =	vsel vm5, s21, v20;
	v18 =	vsel vm6, s21, v18;
	v17 =	vld [tilespmem:s22+$0x8060]  }
0xd0: {  	s23 =	scvt.s32.f32 s24  }
0xd1: {  	vm4 =	vlt.f32 v22, v9  }
0xd2: {  	vm5 =	vlt.f32 v5, v10;
	v5 =	vsel vm4, s23, v6  }
0xd3: {  	v9 =	vld [tilespmem:s22+$0x8070];
	vm12 =	vlt.f32 v19, v16;
	v6 =	vsel vm5, s23, v21;
	[tilespmem:$0x10100] =	vst v5  }
0xd4: {  	vm13 =	vlt.f32 v11, v14;
	v5 =	vsel vm12, s23, v20;
	[tilespmem:$0x10110] =	vst v6  }
0xd5: {  	v3 =	vsel vm1, s21, v3;
	vm1 =	vlt.f32 v15, v8;
	v6 =	vsel vm13, s23, v18;
	[tilespmem:$0x10120] =	vst v5  }
0xd6: {  	v2 =	vsel vm3, s21, v2;
	vm3 =	vlt.f32 v12, v13;
	v3 =	vsel vm1, s23, v3;
	[tilespmem:$0x10130] =	vst v6  }
0xd7: {  	v0 =	vsel vm2, s21, v0;
	vm1 =	vlt.f32 v17, v7;
	v2 =	vsel vm3, s23, v2;
	[tilespmem:$0x10140] =	vst v3  }
0xd8: {  	v1 =	vsel vm0, s21, v1;
	vm0 =	vlt.f32 v9, v4;
	v0 =	vsel vm1, s23, v0;
	[tilespmem:$0x10150] =	vst v2  }
0xd9: {  	v1 =	vsel vm0, s23, v1;
	[tilespmem:$0x10160] =	vst v0  }
0xda: {  	[tilespmem:$0x10170] =	vst v1  }
0xdb: {  	[tilespmem:s15], [sflag:$0x2] =	stream.strided.gather [hbm4b:s10+s13], $0x8000, s14, s13, $0x38;
	[tilespmem:$0x10200] =	vst v63  }
0xdc: {  	_ =	swait.ge [sflag:s16], $0x8000  }
0xdd: {  	[sflag:s16] =	ssyncset.done $0x0  }
0xde: {  	s28 =	simm.s32 $0x40;
	[sflag:s16] =	ssyncadd.s32 $0xFFFF8000  }
0xdf: {  	v2 =	vld [tilespmem:s28+$0xFFFFFFC0]  }
0xe0: {  	v4 =	vld [tilespmem:s28+$0xFFFFFFD0]  }
0xe1: {  	v6 =	vld [tilespmem:s28+$0xFFFFFFE0]  }
0xe2: {  	v7 =	vld [tilespmem:s28+$0xFFFFFFF0]  }
0xe3: {  	v8 =	vld [tilespmem:s28+$0x0]  }
0xe4: {  	v10 =	vld [tilespmem:s28+$0x10]  }
0xe5: {  	v11 =	vld [tilespmem:s28+$0x20];
	_ =	sdelay $0x1  }
0xe6: {  	s30 =	simm.s32 $0xC0;
	v12 =	vimm.f32 $+Inf;
	v13 =	vld [tilespmem:s28+$0x30]  }
0xe7: {  	s29 =	simm.s32 $0x0;
	v0 =	vimm.f32 $0.0e+00;
	v22 =	vld [tilespmem:s30+$0xFFFFFFC0];
	vm0 =	vlt.f32 v2, v12;
	vm1 =	vlt.f32 v4, v12  }
0xe8: {  	s21 =	scvt.s32.f32 s29;
	v1 =	vld [tilespmem:s30+$0xFFFFFFD0];
	vm2 =	vlt.f32 v6, v12;
	vm3 =	vlt.f32 v7, v12;
	vm14 =	vlt.f32 v8, v12  }
0xe9: {  	v23 =	vld [tilespmem:s30+$0xFFFFFFE0];
	vm15 =	vlt.f32 v10, v12;
	vm6 =	vlt.f32 v11, v12;
	v3 =	vsel vm0, v2, v12  }
0xea: {  	v16 =	vld [tilespmem:s30+$0x0];
	v5 =	vsel vm0, s21, v0;
	v4 =	vsel vm1, v4, v12;
	v6 =	vsel vm2, v6, v12  }
0xeb: {  	v9 =	vld [tilespmem:s30+$0x10];
	v7 =	vsel vm3, v7, v12;
	v8 =	vsel vm14, v8, v12;
	vm0 =	vlt.f32 v13, v12  }
0xec: {  	v2 =	vld [tilespmem:s30+$0xFFFFFFF0];
	v10 =	vsel vm15, v10, v12;
	v11 =	vsel vm6, v11, v12;
	v14 =	vsel vm2, s21, v0  }
0xed: {  	s31 =	simm.s32 $0x1;
	v20 =	vld [tilespmem:s30+$0x20];
	v15 =	vsel vm3, s21, v0;
	v17 =	vsel vm14, s21, v0;
	v18 =	vsel vm15, s21, v0  }
0xee: {  	s22 =	simm.s32 $0x140;
	s24 =	simm.s32 $0x2;
	s23 =	scvt.s32.f32 s31;
	v21 =	vld [tilespmem:s30+$0x30];
	v19 =	vsel vm6, s21, v0;
	v12 =	vsel vm0, v13, v12;
	v13 =	vsel vm1, s21, v0  }
.LBB2_14:
0xef: {  	v24 =	vld [tilespmem:s22+$0xFFFFFFC0];
	p0 =	sne.s32 s24, $0xFF;
	vm1 =	vlt.f32 v22, v3;
	vm2 =	vlt.f32 v1, v4;
	v0 =	vsel vm0, s21, v0  }
0xf0: {  	v3 =	vsel vm1, v22, v3;
	v5 =	vsel vm1, s23, v5;
	v4 =	vsel vm2, v1, v4;
	v1 =	vld [tilespmem:s22+$0xFFFFFFD0];
	s21 =	smov.u32 s23  }
0xf1: {  	vm3 =	vlt.f32 v2, v7;
	vm1 =	vlt.f32 v23, v6;
	vm4 =	vlt.f32 v16, v8;
	v25 =	vld [tilespmem:s22+$0xFFFFFFE0]  }
.Ltmp6:
0xf2: {  	v7 =	vsel vm3, v2, v7;
	v6 =	vsel vm1, v23, v6;
	v8 =	vsel vm4, v16, v8;
	v2 =	vld [tilespmem:s22+$0xFFFFFFF0];
	(pc) =	sbr.rel @p0 .LBB2_14-.Ltmp6, $4  }
0xf3: {  	vm5 =	vlt.f32 v9, v10;
	vm6 =	vlt.f32 v20, v11;
	v16 =	vld [tilespmem:s22+$0x0];
	vm0 =	vlt.f32 v21, v12  }
0xf4: {  	v10 =	vsel vm5, v9, v10;
	v11 =	vsel vm6, v20, v11;
	v9 =	vld [tilespmem:s22+$0x10];
	v12 =	vsel vm0, v21, v12;
	v22 =	vmovc v24  }
0xf5: {  	v13 =	vsel vm2, s21, v13;
	v14 =	vsel vm1, s21, v14;
	v15 =	vsel vm3, s21, v15;
	v20 =	vld [tilespmem:s22+$0x20]  }
0xf6: {  	s23 =	scvt.s32.f32 s24;
	s24 =	sadd.s32 $0x1, s24;
	v17 =	vsel vm4, s21, v17;
	v18 =	vsel vm5, s21, v18;
	v19 =	vsel vm6, s21, v19;
	v21 =	vld [tilespmem:s22+$0x30];
	s22 =	sadd.s32 $0x80, s22;
	v23 =	vmovc v25  }
0xf7: {  	_ =	swait.ge [sflag:s17], $0x8000  }
0xf8: {  	[sflag:s17] =	ssyncset.done $0x0  }
0xf9: {  	s24 =	simm.s32 $0x0;
	[sflag:s17] =	ssyncadd.s32 $0xFFFF8000  }
0xfa: {  	v25 =	vld [tilespmem:s24+$0x8000]  }
0xfb: {  	vm1 =	vlt.f32 v22, v3;
	vm2 =	vlt.f32 v1, v4;
	v24 =	vsel vm0, s21, v0;
	v28 =	vld [tilespmem:s24+$0x8010]  }
0xfc: {  	vm0 =	vlt.f32 v23, v6;
	v26 =	vsel vm1, v22, v3;
	v27 =	vsel vm1, s23, v5;
	v29 =	vld [tilespmem:s24+$0x8020]  }
0xfd: {  	v4 =	vsel vm2, v1, v4;
	vm1 =	vlt.f32 v2, v7;
	vm3 =	vlt.f32 v16, v8;
	v30 =	vld [tilespmem:s24+$0x8030]  }
0xfe: {  	v23 =	vsel vm0, v23, v6;
	v34 =	vsel vm2, s23, v13;
	v35 =	vsel vm0, s23, v14;
	v31 =	vld [tilespmem:s24+$0x8040]  }
0xff: {  	v7 =	vsel vm1, v2, v7;
	v8 =	vsel vm3, v16, v8;
	vm4 =	vlt.f32 v9, v10;
	v33 =	vld [tilespmem:s24+$0x8050]  }
0x100: {  	v36 =	vsel vm1, s23, v15;
	v3 =	vsel vm3, s23, v17;
	vm5 =	vlt.f32 v20, v11;
	v37 =	vld [tilespmem:s24+$0x8060]  }
0x101: {  	v32 =	vsel vm4, v9, v10;
	v2 =	vsel vm4, s23, v18;
	vm6 =	vlt.f32 v21, v12  }
0x102: {  	s22 =	simm.s32 $0x80;
	v17 =	vld [tilespmem:s24+$0x8070];
	v20 =	vsel vm5, v20, v11;
	v0 =	vsel vm5, s23, v19;
	v21 =	vsel vm6, v21, v12  }
0x103: {  	s31 =	simm.s32 $0x100;
	v22 =	vld [tilespmem:s22+$0x8000];
	v1 =	vsel vm6, s23, v24;
	vm0 =	vlt.f32 v25, v26;
	vm4 =	vlt.f32 v28, v4  }
0x104: {  	s21 =	scvt.s32.f32 s31;
	v5 =	vld [tilespmem:s22+$0x8010];
	vm5 =	vlt.f32 v29, v23;
	vm15 =	vlt.f32 v30, v7;
	vm1 =	vlt.f32 v31, v8  }
0x105: {  	v19 =	vld [tilespmem:s22+$0x8020];
	vm3 =	vlt.f32 v33, v32;
	vm2 =	vlt.f32 v37, v20;
	v9 =	vsel vm0, v25, v26  }
0x106: {  	v15 =	vld [tilespmem:s22+$0x8040];
	v6 =	vsel vm0, s21, v27;
	v10 =	vsel vm4, v28, v4;
	v16 =	vsel vm5, v29, v23  }
0x107: {  	v11 =	vld [tilespmem:s22+$0x8030];
	v14 =	vsel vm15, v30, v7;
	v8 =	vsel vm1, v31, v8;
	vm0 =	vlt.f32 v17, v21  }
0x108: {  	v12 =	vld [tilespmem:s22+$0x8050];
	v13 =	vsel vm3, v33, v32;
	v7 =	vsel vm2, v37, v20;
	v20 =	vsel vm5, s21, v35  }
0x109: {  	s24 =	simm.s32 $0x101;
	s23 =	simm.s32 $0x400;
	v18 =	vsel vm15, s21, v36;
	v4 =	vsel vm0, v17, v21;
	v17 =	vld [tilespmem:s22+$0x8060];
	v21 =	vsel vm4, s21, v34  }
.LBB2_16:
0x10a: {  	p0 =	sne.s32 s23, $0x1FE00;
	s25 =	scvt.s32.f32 s24;
	v23 =	vld [tilespmem:s22+$0x8070];
	s22 =	sshra.s32 s23, $0x2;
	v3 =	vsel vm1, s21, v3;
	v2 =	vsel vm3, s21, v2;
	v0 =	vsel vm2, s21, v0;
	v24 =	vmovc v19  }
0x10b: {  	vm1 =	vlt.f32 v22, v9;
	vm4 =	vlt.f32 v5, v10;
	v1 =	vsel vm0, s21, v1;
	v25 =	vld [tilespmem:s22+$0x8000]  }
0x10c: {  	v9 =	vsel vm1, v22, v9;
	v10 =	vsel vm4, v5, v10;
	v6 =	vsel vm1, s25, v6;
	v5 =	vld [tilespmem:s22+$0x8010];
	s21 =	smov.u32 s25  }
.Ltmp7:
0x10d: {  	vm5 =	vlt.f32 v24, v16;
	vm6 =	vlt.f32 v11, v14;
	vm1 =	vlt.f32 v15, v8;
	v19 =	vld [tilespmem:s22+$0x8020];
	(pc) =	sbr.rel @p0 .LBB2_16-.Ltmp7, $4  }
0x10e: {  	v16 =	vsel vm5, v24, v16;
	v14 =	vsel vm6, v11, v14;
	v8 =	vsel vm1, v15, v8;
	v11 =	vld [tilespmem:s22+$0x8030]  }
0x10f: {  	vm3 =	vlt.f32 v12, v13;
	vm2 =	vlt.f32 v17, v7;
	v15 =	vld [tilespmem:s22+$0x8040];
	vm0 =	vlt.f32 v23, v4  }
0x110: {  	v13 =	vsel vm3, v12, v13;
	v7 =	vsel vm2, v17, v7;
	v12 =	vld [tilespmem:s22+$0x8050];
	v4 =	vsel vm0, v23, v4;
	v22 =	vmovc v25  }
0x111: {  	s23 =	sadd.s32 $0x200, s23;
	s24 =	sadd.s32 $0x1, s24;
	v21 =	vsel vm4, s21, v21;
	v20 =	vsel vm5, s21, v20;
	v18 =	vsel vm6, s21, v18;
	v17 =	vld [tilespmem:s22+$0x8060]  }
0x112: {  	s23 =	scvt.s32.f32 s24  }
0x113: {  	vm4 =	vlt.f32 v22, v9  }
0x114: {  	vm5 =	vlt.f32 v5, v10;
	v60 =	vsel vm4, s23, v6  }
0x115: {  	v59 =	vld [tilespmem:s22+$0x8070];
	vm10 =	vlt.f32 v19, v16;
	v61 =	vsel vm5, s23, v21;
	[tilespmem:$0x10180] =	vst v60  }
0x116: {  	vm11 =	vlt.f32 v11, v14;
	v62 =	vsel vm10, s23, v20;
	[tilespmem:$0x10190] =	vst v61  }
0x117: {  	v3 =	vsel vm1, s21, v3;
	vm12 =	vlt.f32 v15, v8;
	v63 =	vsel vm11, s23, v18;
	[tilespmem:$0x101A0] =	vst v62  }
0x118: {  	v2 =	vsel vm3, s21, v2;
	vm13 =	vlt.f32 v12, v13;
	v3 =	vsel vm12, s23, v3;
	[tilespmem:$0x101B0] =	vst v63  }
0x119: {  	v0 =	vsel vm2, s21, v0;
	vm14 =	vlt.f32 v17, v7;
	v2 =	vsel vm13, s23, v2;
	[tilespmem:$0x101C0] =	vst v3  }
0x11a: {  	v1 =	vsel vm0, s21, v1;
	s20 =	sadd.s32 $0x1, s20;
	vm15 =	vlt.f32 v59, v4;
	v0 =	vsel vm14, s23, v0;
	[tilespmem:$0x101D0] =	vst v2  }
0x11b: {  	p0 =	sne.s32 s20, s12;
	v1 =	vsel vm15, s23, v1;
	[tilespmem:$0x101E0] =	vst v0  }
.Ltmp8:
0x11c: {  	[tilespmem:$0x101F0] =	vst v1;
	(pc) =	sbr.rel @p0 .LBB2_1-.Ltmp8, $4  }
0x11d: {  	[hbm4b:s11+s2] =	stream.linear.scatter [tilespmem:s18], [sflag:$0x3], $0x200, $0x38;
	[tilespmem:$0x10200] =	vst v63  }
0x11e: {  	_ =	swait.ge [sflag:s19], $0x200  }
0x11f: {  	[sflag:s19] =	ssyncset.done $0x0  }
0x120: {  	[sflag:s19] =	ssyncadd.s32 $0xFFFFFE00  }
0x121: {  	_ =	sfence.sel $0x180000  }
0x122: {  	[bflag:$0x0] =	sbarrier.arrive $0xFFFF  }
0x123: {  	p0 =	sne.s32 s1, $0x0;
	_ =	strace $0x90000047  }
0x124: {  	s0 =	sadd.s32 @!p0 $0x100000, s0;
	[bflag:$0x2] =	sbarrier.arrive $0xFFFF  }
0x125: {  	[sflag:s0] =	ssyncadd.tile.s32 @!p0 $0x1;
	_ =	shalt  }
.Lfunc_end2:
_tile_overlayer_lowered:
.L_overlay_start_2:
0x126: {  	(tag) =	ssettag $0x2  }
0x127: {  	s0 =	rddreg [dreg:$0x0];
	s2 =	stileid.u32  }
0x128: {  	s1 =	rddreg [dreg:$0x1];
	p0 =	sne.s32 s2, $0x0  }
0x129: {  	s3 =	rddreg [dreg:$0x2];
	[bflag:$0x3] =	sbarrier.arrive $0xFFFF;
	s2 =	simm.s32 @!p0 $0x1C03  }
0x12a: {  	[timem:s3], [sflag:s2] =	dma.local @!p0 [hbm:s0], s1  }
0x12b: {  	s0 =	simm.s32 @!p0 $0x3  }
0x12c: {  	_ =	swait.ge @!p0 [sflag:s0], s1  }
0x12d: {  	s1 =	ssub.s32 @!p0 $0x0, s1;
	[sflag:s0] =	ssyncset.done @!p0 $0x0  }
0x12e: {  	[sflag:s0] =	ssyncadd.s32 @!p0 s1  }
0x12f: {  	[bflag:$0x3] =	sbarrier.arrive $0xFFFF  }
0x130: {  	_ =	shalt  }

</sc_bundles>
